<compile_context>
chip_gen: v7x
topology: tpu7x:2x2x1
jax: 0.10.2.dev20260603
libtpu: 0.0.44.dev20260713+nightly
codegen_flags: <defaults>
</compile_context>

<pallas_src>
import dataclasses
import functools

import jax
import jax.numpy as jnp
from jax.experimental import pallas as pl
from jax.experimental.pallas import tpu as pltpu
from jax.experimental.pallas import tpu_sc as plsc

N_TABLE = 2048
SCALE = 64.0
MAGIC = 1.5 * 2.0**23
LANES = 16


def _sc_compiler_params():
    cp = pltpu.CompilerParams()
    if "needs_layout_passes" in pltpu.CompilerParams.__dataclass_fields__:
        cp = dataclasses.replace(cp, needs_layout_passes=False)
    return cp


def kernel(x, table):
    b, m, n = x.shape
    blk_m = 8
    blk_n = 2048
    mesh = plsc.VectorSubcoreMesh(core_axis_name="c", subcore_axis_name="s")

    table_rep = jnp.repeat(table, LANES)

    @functools.partial(
        pl.kernel,
        out_type=jax.ShapeDtypeStruct(x.shape, jnp.float32),
        mesh=mesh,
        scratch_types=[pltpu.VMEM((N_TABLE * LANES,), jnp.float32)],
        compiler_params=_sc_compiler_params(),
    )
    def _lut_kernel(x_hbm, t_hbm, o_hbm, table_v):
        pltpu.sync_copy(t_hbm, table_v)

        def body(in_v, out_v):
            lane = jax.lax.iota(jnp.int32, LANES)

            @plsc.parallel_loop(0, blk_m * blk_n, step=8 * LANES, unroll=8)
            def _(i):
                r = jax.lax.shift_right_logical(i, 11)
                base = jax.lax.bitwise_and(i, blk_n - 1)
                for k in range(8):
                    sl = pl.ds(base + k * LANES, LANES)
                    v = in_v[0, r, sl]
                    biased = v * SCALE + MAGIC
                    shifted = jax.lax.shift_left(plsc.bitcast(biased, jnp.int32), 4)
                    idx = (shifted & (N_TABLE * LANES - 1)) | lane
                    out_v[0, r, sl] = plsc.load_gather(table_v, [idx])

        pltpu.emit_pipeline(
            body,
            grid=(b, m // blk_m, n // blk_n),
            in_specs=[pl.BlockSpec((1, blk_m, blk_n), lambda i, j, k: (i, j, k))],
            out_specs=[pl.BlockSpec((1, blk_m, blk_n), lambda i, j, k: (i, j, k))],
            core_axis_name=("c", "s"),
            dimension_semantics=(pltpu.PARALLEL, pltpu.PARALLEL, pltpu.PARALLEL),
            trace_scopes=False,
        )(x_hbm, o_hbm)

    return _lut_kernel(x, table_rep)

# --- scband reference (transcript-rebuilt; emitter-appended) ---
"""Pipeline reference for scband-unary-lut-49924699849260 (READ-ONLY COPY).

The authoritative reference and input builder live on the scoring server;
editing this copy changes nothing except your own understanding.
"""

import jax, jax.numpy as jnp
import numpy as np

# UnaryLUT: kif_in=(1,4,6) -> N = 2**(1+4+6) = 2048 table entries, scale = 2.0**f = 2.0**6 = 64.0
KIF_IN = (1, 4, 6)
N_TABLE = 2 ** sum(KIF_IN)  # 2048
SCALE = 2.0 ** KIF_IN[2]    # 64.0


def setup_inputs(seed: int = 0) -> dict:
    key = jax.random.key(seed)
    k1, k2 = jax.random.split(key)
    x = jax.random.normal(k1, (2, 8192, 2048), dtype=jnp.float32)
    # learned (non-trainable in keras, but a materialized parameter) LUT table
    table = jax.random.normal(k2, (N_TABLE,), dtype=jnp.float32)
    return {"x": x, "table": table}


def reference(x, table):
    # inputs = tf.round(inputs * self.scale)
    idx = jnp.round(x * SCALE)
    # inputs = inputs % self.table.shape[0]  (float mod, python semantics -> non-negative)
    idx = jnp.mod(idx, table.shape[0])
    # tf.gather(self.table, tf.cast(inputs, 'int32'))
    return jnp.take(table, idx.astype(jnp.int32), axis=0)

if __name__ == "__main__":
    import jax
    _d = setup_inputs()
    print(jax.jit(kernel)(*tuple(_d.values())))

</pallas_src>

<mosaic_0001>
#map = affine_map<(d0, d1) -> (0, 0, 0)>
#map1 = affine_map<(d0, d1) -> (0)>
module attributes {stable_mosaic.version = 14 : i64} {
  func.func @_lut_kernel(%arg0: i32, %arg1: i32, %arg2: memref<2x8192x2048xf32, #tpu.memory_space<hbm>>, %arg3: memref<32768xf32, #tpu.memory_space<hbm>>, %arg4: memref<2x8192x2048xf32, #tpu.memory_space<hbm>>, %arg5: memref<32768xf32, #tpu.memory_space<vmem>>) attributes {dimension_semantics = [#tpu.dimension_semantics<core_parallel>, #tpu.dimension_semantics<subcore_parallel>], iteration_bounds = array<i64: 2, 16>, scalar_prefetch = 0 : i64, scratch_operands = 1 : i64, tpu.core_type = #tpu.core_type<sc_vector_subcore>, window_params = [{transform_indices = #map}, {transform_indices = #map1}, {transform_indices = #map}]} {
    "tpu.region"() ({
      %run_scoped3A = tpu.sem_alloc : memref<!tpu.dma_semaphore, #tpu.memory_space<semaphore_mem>>
      tpu.enqueue_dma source(%arg3 : memref<32768xf32, #tpu.memory_space<hbm>>) target(%arg5 : memref<32768xf32, #tpu.memory_space<vmem>>) target_semaphore(%run_scoped3A : memref<!tpu.dma_semaphore, #tpu.memory_space<semaphore_mem>>)
      tpu.wait_dma2 semaphore(%run_scoped3A : memref<!tpu.dma_semaphore, #tpu.memory_space<semaphore_mem>>) src(%arg3 : memref<32768xf32, #tpu.memory_space<hbm>>) dst(%arg5 : memref<32768xf32, #tpu.memory_space<vmem>>)
      tpu.yield
    }) : () -> ()
    %mul3A = arith.constant 1 : i32
    %mul3A_0 = arith.muli %arg1, %mul3A : i32
    %add3A = arith.constant 0 : i32
    %add3A_1 = arith.addi %add3A, %mul3A_0 : i32
    %mul3A_2 = arith.constant 16 : i32
    %mul3A_3 = arith.muli %arg0, %mul3A_2 : i32
    %add3A_4 = arith.addi %add3A_1, %mul3A_3 : i32
    %mul3A_5 = arith.constant 32 : i32
    %mul3A_6 = arith.muli %add3A_4, %mul3A_5 : i32
    "tpu.region"() ({
      %run_scoped3A = memref.alloca() : memref<2x1x8x2048xf32, #tpu.memory_space<vmem>>
      %run_scoped3A_7 = tpu.sem_alloc : memref<2x!tpu.dma_semaphore, #tpu.memory_space<semaphore_mem>>
      %run_scoped3A_8 = memref.alloca() : memref<2x1x8x2048xf32, #tpu.memory_space<vmem>>
      %run_scoped3A_9 = tpu.sem_alloc : memref<2x!tpu.dma_semaphore, #tpu.memory_space<semaphore_mem>>
      %add3A_10 = arith.constant 0 : i32
      %add3A_11 = arith.addi %add3A_10, %mul3A_6 : i32
      %select_n3A = arith.constant true
      %select_n3A_12 = arith.constant 0 : i32
      %select_n3A_13 = arith.constant -1 : i32
      %select_n3A_14 = arith.select %select_n3A, %select_n3A_13, %select_n3A_12 : i32
      %eq3A = arith.constant -1 : i32
      %eq3A_15 = arith.cmpi eq, %select_n3A_14, %eq3A : i32
      %select_n3A_16 = arith.constant 0 : i32
      %select_n3A_17 = arith.select %eq3A_15, %select_n3A_16, %select_n3A_14 : i32
      %select_n3A_18 = arith.constant 0 : i32
      %select_n3A_19 = arith.constant -1 : i32
      %select_n3A_20 = arith.select %eq3A_15, %select_n3A_19, %select_n3A_18 : i32
      %eq3A_21 = arith.constant -1 : i32
      %eq3A_22 = arith.cmpi eq, %select_n3A_20, %eq3A_21 : i32
      %select_n3A_23 = arith.constant 31 : i32
      %select_n3A_24 = arith.select %eq3A_22, %select_n3A_23, %select_n3A_20 : i32
      %select_n3A_25 = arith.constant 0 : i32
      %select_n3A_26 = arith.constant -1 : i32
      %select_n3A_27 = arith.select %eq3A_22, %select_n3A_26, %select_n3A_25 : i32
      %eq3A_28 = arith.constant -1 : i32
      %eq3A_29 = arith.cmpi eq, %select_n3A_27, %eq3A_28 : i32
      %select_n3A_30 = arith.constant 1 : i32
      %select_n3A_31 = arith.select %eq3A_29, %select_n3A_30, %select_n3A_27 : i32
      %add3A_32 = arith.constant 0 : i32
      %add3A_33 = arith.addi %select_n3A_31, %add3A_32 : i32
      %add3A_34 = arith.addi %select_n3A_24, %mul3A_6 : i32
      %select_n3A_35 = arith.constant true
      %select_n3A_36 = arith.constant 0 : i32
      %select_n3A_37 = arith.constant 1 : i32
      %select_n3A_38 = arith.select %select_n3A_35, %select_n3A_37, %select_n3A_36 : i32
      %eq3A_39 = arith.constant 1 : i32
      %eq3A_40 = arith.cmpi eq, %select_n3A_38, %eq3A_39 : i32
      %select_n3A_41 = arith.constant 0 : i32
      %select_n3A_42 = arith.select %eq3A_40, %select_n3A_41, %select_n3A_38 : i32
      %select_n3A_43 = arith.constant 0 : i32
      %select_n3A_44 = arith.constant 1 : i32
      %select_n3A_45 = arith.select %eq3A_40, %select_n3A_44, %select_n3A_43 : i32
      %eq3A_46 = arith.constant 32 : i32
      %eq3A_47 = arith.cmpi eq, %select_n3A_45, %eq3A_46 : i32
      %select_n3A_48 = arith.constant 0 : i32
      %select_n3A_49 = arith.select %eq3A_47, %select_n3A_48, %select_n3A_45 : i32
      %select_n3A_50 = arith.constant 0 : i32
      %select_n3A_51 = arith.constant 1 : i32
      %select_n3A_52 = arith.select %eq3A_47, %select_n3A_51, %select_n3A_50 : i32
      %eq3A_53 = arith.constant 2 : i32
      %eq3A_54 = arith.cmpi eq, %select_n3A_52, %eq3A_53 : i32
      %select_n3A_55 = arith.constant 0 : i32
      %select_n3A_56 = arith.select %eq3A_54, %select_n3A_55, %select_n3A_52 : i32
      %add3A_57 = arith.constant 0 : i32
      %add3A_58 = arith.addi %select_n3A_56, %add3A_57 : i32
      %add3A_59 = arith.addi %select_n3A_49, %mul3A_6 : i32
      %select_n3A_60 = arith.constant true
      %select_n3A_61 = arith.constant 0 : i32
      %select_n3A_62 = arith.constant 1 : i32
      %select_n3A_63 = arith.select %select_n3A_60, %select_n3A_62, %select_n3A_61 : i32
      %eq3A_64 = arith.constant 1 : i32
      %eq3A_65 = arith.cmpi eq, %select_n3A_63, %eq3A_64 : i32
      %select_n3A_66 = arith.constant 0 : i32
      %select_n3A_67 = arith.select %eq3A_65, %select_n3A_66, %select_n3A_63 : i32
      %add3A_68 = arith.constant 1 : i32
      %add3A_69 = arith.addi %select_n3A_49, %add3A_68 : i32
      %select_n3A_70 = arith.select %eq3A_65, %add3A_69, %select_n3A_49 : i32
      %eq3A_71 = arith.constant 32 : i32
      %eq3A_72 = arith.cmpi eq, %select_n3A_70, %eq3A_71 : i32
      %select_n3A_73 = arith.constant 0 : i32
      %select_n3A_74 = arith.select %eq3A_72, %select_n3A_73, %select_n3A_70 : i32
      %add3A_75 = arith.constant 1 : i32
      %add3A_76 = arith.addi %select_n3A_56, %add3A_75 : i32
      %select_n3A_77 = arith.select %eq3A_72, %add3A_76, %select_n3A_56 : i32
      %eq3A_78 = arith.constant 2 : i32
      %eq3A_79 = arith.cmpi eq, %select_n3A_77, %eq3A_78 : i32
      %select_n3A_80 = arith.constant 0 : i32
      %select_n3A_81 = arith.select %eq3A_79, %select_n3A_80, %select_n3A_77 : i32
      %add3A_82 = arith.constant 0 : i32
      %add3A_83 = arith.addi %select_n3A_81, %add3A_82 : i32
      %add3A_84 = arith.addi %select_n3A_74, %mul3A_6 : i32
      %rem3A = arith.constant 0 : i32
      %rem3A_85 = arith.constant 2 : i32
      %rem3A_86 = arith.remui %rem3A, %rem3A_85 : i32
      %mul3A_87 = arith.constant 8 : i32
      %mul3A_88 = arith.muli %mul3A_87, %add3A_11 : i32
      %dma_start3A = arith.constant 0 : i32
      %dma_start3A_89 = arith.constant 0 : i32
      %dma_start3A_90 = arith.constant 0 : i32
      %dma_start3A_91 = tpu.memref_slice %run_scoped3A[%rem3A_86, %dma_start3A, %dma_start3A_89, %dma_start3A_90] : memref<2x1x8x2048xf32, #tpu.memory_space<vmem>> -> memref<1x1x8x2048xf32, #tpu.memory_space<vmem>>
      %dma_start3A_92 = tpu.memref_squeeze %dma_start3A_91 : memref<1x1x8x2048xf32, #tpu.memory_space<vmem>> -> memref<1x8x2048xf32, #tpu.memory_space<vmem>>
      %dma_start3A_93 = arith.constant 0 : i32
      %dma_start3A_94 = arith.constant 0 : i32
      %dma_start3A_95 = tpu.memref_slice %arg2[%dma_start3A_93, %mul3A_88, %dma_start3A_94] : memref<2x8192x2048xf32, #tpu.memory_space<hbm>> -> memref<1x8x2048xf32, #tpu.memory_space<hbm>>
      %dma_start3A_96 = tpu.memref_slice %run_scoped3A_7[%rem3A_86] : memref<2x!tpu.dma_semaphore, #tpu.memory_space<semaphore_mem>> -> memref<1x!tpu.dma_semaphore, #tpu.memory_space<semaphore_mem>>
      %dma_start3A_97 = tpu.memref_squeeze %dma_start3A_96 : memref<1x!tpu.dma_semaphore, #tpu.memory_space<semaphore_mem>> -> memref<!tpu.dma_semaphore, #tpu.memory_space<semaphore_mem>>
      %dma_start3A_98 = arith.constant 0 : i32
      %dma_start3A_99 = arith.constant 0 : i32
      %dma_start3A_100 = arith.constant 0 : i32
      %dma_start3A_101 = tpu.memref_slice %run_scoped3A[%rem3A_86, %dma_start3A_98, %dma_start3A_99, %dma_start3A_100] : memref<2x1x8x2048xf32, #tpu.memory_space<vmem>> -> memref<1x1x8x2048xf32, #tpu.memory_space<vmem>>
      %dma_start3A_102 = tpu.memref_squeeze %dma_start3A_101 : memref<1x1x8x2048xf32, #tpu.memory_space<vmem>> -> memref<1x8x2048xf32, #tpu.memory_space<vmem>>
      %dma_start3A_103 = arith.constant 0 : i32
      %dma_start3A_104 = arith.constant 0 : i32
      %dma_start3A_105 = tpu.memref_slice %arg2[%dma_start3A_103, %mul3A_88, %dma_start3A_104] : memref<2x8192x2048xf32, #tpu.memory_space<hbm>> -> memref<1x8x2048xf32, #tpu.memory_space<hbm>>
      tpu.enqueue_dma source(%dma_start3A_105 : memref<1x8x2048xf32, #tpu.memory_space<hbm>>) target(%dma_start3A_102 : memref<1x8x2048xf32, #tpu.memory_space<vmem>>) target_semaphore(%dma_start3A_97 : memref<!tpu.dma_semaphore, #tpu.memory_space<semaphore_mem>>)
      %add3A_106 = arith.constant 0 : i32
      %add3A_107 = arith.constant 1 : i32
      %add3A_108 = arith.addi %add3A_106, %add3A_107 : i32
      %select_n3A_109 = arith.constant true
      %select_n3A_110 = arith.constant 0 : i32
      %select_n3A_111 = arith.select %select_n3A_109, %add3A_108, %select_n3A_110 : i32
      %scan3A = arith.constant 0 : i32
      %scan3A_112 = arith.constant 0 : i32
      %scan3A_113 = arith.constant 0 : i32
      %scan3A_114 = arith.constant 0 : i32
      %scan3A_115 = arith.constant 0 : i32
      %scan3A_116 = arith.constant 0 : i32
      %scan3A_117 = arith.constant 0 : i32
      %scan3A_118 = arith.constant 64 : i32
      %scan3A_119 = arith.addi %scan3A_117, %scan3A_118 : i32
      %scan3A_120 = arith.constant 1 : i32
      %scan3A_121:7 = scf.for %scan3A_243 = %scan3A_117 to %scan3A_119 step %scan3A_120 iter_args(%scan3A_244 = %select_n3A_111, %scan3A_245 = %scan3A, %scan3A_246 = %scan3A_112, %scan3A_247 = %scan3A_113, %scan3A_248 = %scan3A_114, %scan3A_249 = %scan3A_115, %scan3A_250 = %scan3A_116) -> (i32, i32, i32, i32, i32, i32, i32)  : i32 {
        %eq3A_251 = arith.constant 0 : i32
        %eq3A_252 = arith.cmpi eq, %scan3A_243, %eq3A_251 : i32
        %eq3A_253 = arith.constant 63 : i32
        %eq3A_254 = arith.cmpi eq, %scan3A_243, %eq3A_253 : i32
        %add3A_255 = arith.constant 0 : i32
        %add3A_256 = arith.addi %scan3A_248, %add3A_255 : i32
        %add3A_257 = arith.addi %scan3A_249, %mul3A_6 : i32
        %select_n3A_258 = arith.constant true
        %select_n3A_259 = arith.constant 0 : i32
        %select_n3A_260 = arith.constant -1 : i32
        %select_n3A_261 = arith.select %select_n3A_258, %select_n3A_260, %select_n3A_259 : i32
        %eq3A_262 = arith.constant -1 : i32
        %eq3A_263 = arith.cmpi eq, %select_n3A_261, %eq3A_262 : i32
        %select_n3A_264 = arith.constant 0 : i32
        %select_n3A_265 = arith.select %eq3A_263, %select_n3A_264, %select_n3A_261 : i32
        %sub3A_266 = arith.constant 1 : i32
        %sub3A_267 = arith.subi %scan3A_249, %sub3A_266 : i32
        %select_n3A_268 = arith.select %eq3A_263, %sub3A_267, %scan3A_249 : i32
        %eq3A_269 = arith.constant -1 : i32
        %eq3A_270 = arith.cmpi eq, %select_n3A_268, %eq3A_269 : i32
        %select_n3A_271 = arith.constant 31 : i32
        %select_n3A_272 = arith.select %eq3A_270, %select_n3A_271, %select_n3A_268 : i32
        %sub3A_273 = arith.constant 1 : i32
        %sub3A_274 = arith.subi %scan3A_248, %sub3A_273 : i32
        %select_n3A_275 = arith.select %eq3A_270, %sub3A_274, %scan3A_248 : i32
        %eq3A_276 = arith.constant -1 : i32
        %eq3A_277 = arith.cmpi eq, %select_n3A_275, %eq3A_276 : i32
        %select_n3A_278 = arith.constant 1 : i32
        %select_n3A_279 = arith.select %eq3A_277, %select_n3A_278, %select_n3A_275 : i32
        %add3A_280 = arith.constant 0 : i32
        %add3A_281 = arith.addi %select_n3A_279, %add3A_280 : i32
        %add3A_282 = arith.addi %select_n3A_272, %mul3A_6 : i32
        %select_n3A_283 = arith.constant true
        %select_n3A_284 = arith.constant 0 : i32
        %select_n3A_285 = arith.constant 1 : i32
        %select_n3A_286 = arith.select %select_n3A_283, %select_n3A_285, %select_n3A_284 : i32
        %eq3A_287 = arith.constant 1 : i32
        %eq3A_288 = arith.cmpi eq, %select_n3A_286, %eq3A_287 : i32
        %select_n3A_289 = arith.constant 0 : i32
        %select_n3A_290 = arith.select %eq3A_288, %select_n3A_289, %select_n3A_286 : i32
        %add3A_291 = arith.constant 1 : i32
        %add3A_292 = arith.addi %scan3A_249, %add3A_291 : i32
        %select_n3A_293 = arith.select %eq3A_288, %add3A_292, %scan3A_249 : i32
        %eq3A_294 = arith.constant 32 : i32
        %eq3A_295 = arith.cmpi eq, %select_n3A_293, %eq3A_294 : i32
        %select_n3A_296 = arith.constant 0 : i32
        %select_n3A_297 = arith.select %eq3A_295, %select_n3A_296, %select_n3A_293 : i32
        %add3A_298 = arith.constant 1 : i32
        %add3A_299 = arith.addi %scan3A_248, %add3A_298 : i32
        %select_n3A_300 = arith.select %eq3A_295, %add3A_299, %scan3A_248 : i32
        %eq3A_301 = arith.constant 2 : i32
        %eq3A_302 = arith.cmpi eq, %select_n3A_300, %eq3A_301 : i32
        %select_n3A_303 = arith.constant 0 : i32
        %select_n3A_304 = arith.select %eq3A_302, %select_n3A_303, %select_n3A_300 : i32
        %add3A_305 = arith.constant 0 : i32
        %add3A_306 = arith.addi %select_n3A_304, %add3A_305 : i32
        %add3A_307 = arith.addi %select_n3A_297, %mul3A_6 : i32
        %select_n3A_308 = arith.constant true
        %select_n3A_309 = arith.constant 0 : i32
        %select_n3A_310 = arith.constant 1 : i32
        %select_n3A_311 = arith.select %select_n3A_308, %select_n3A_310, %select_n3A_309 : i32
        %eq3A_312 = arith.constant 1 : i32
        %eq3A_313 = arith.cmpi eq, %select_n3A_311, %eq3A_312 : i32
        %select_n3A_314 = arith.constant 0 : i32
        %select_n3A_315 = arith.select %eq3A_313, %select_n3A_314, %select_n3A_311 : i32
        %add3A_316 = arith.constant 1 : i32
        %add3A_317 = arith.addi %select_n3A_297, %add3A_316 : i32
        %select_n3A_318 = arith.select %eq3A_313, %add3A_317, %select_n3A_297 : i32
        %eq3A_319 = arith.constant 32 : i32
        %eq3A_320 = arith.cmpi eq, %select_n3A_318, %eq3A_319 : i32
        %select_n3A_321 = arith.constant 0 : i32
        %select_n3A_322 = arith.select %eq3A_320, %select_n3A_321, %select_n3A_318 : i32
        %add3A_323 = arith.constant 1 : i32
        %add3A_324 = arith.addi %select_n3A_304, %add3A_323 : i32
        %select_n3A_325 = arith.select %eq3A_320, %add3A_324, %select_n3A_304 : i32
        %eq3A_326 = arith.constant 2 : i32
        %eq3A_327 = arith.cmpi eq, %select_n3A_325, %eq3A_326 : i32
        %select_n3A_328 = arith.constant 0 : i32
        %select_n3A_329 = arith.select %eq3A_327, %select_n3A_328, %select_n3A_325 : i32
        %add3A_330 = arith.constant 0 : i32
        %add3A_331 = arith.addi %select_n3A_329, %add3A_330 : i32
        %add3A_332 = arith.addi %select_n3A_322, %mul3A_6 : i32
        %ne3A = arith.cmpi ne, %add3A_256, %add3A_306 : i32
        %ne3A_333 = arith.cmpi ne, %add3A_257, %add3A_307 : i32
        %or3A = arith.constant false
        %or3A_334 = arith.ori %or3A, %ne3A : i1
        %or3A_335 = arith.ori %or3A_334, %ne3A_333 : i1
        %or3A_336 = arith.constant false
        %or3A_337 = arith.ori %or3A_335, %or3A_336 : i1
        %ge3A = arith.constant 63 : i32
        %ge3A_338 = arith.cmpi sge, %scan3A_243, %ge3A : i32
        %not3A = arith.constant true
        %not3A_339 = arith.xori %ge3A_338, %not3A : i1
        %and3A = arith.andi %or3A_337, %not3A_339 : i1
        %convert_element_type3A = arith.extui %and3A : i1 to i32
        %cond3A = arith.constant 0 : i32
        %cond3A_340 = arith.cmpi ne, %convert_element_type3A, %cond3A : i32
        scf.if %cond3A_340 {
          %rem3A_482 = arith.constant 2 : i32
          %rem3A_483 = arith.remui %scan3A_244, %rem3A_482 : i32
          %mul3A_484 = arith.constant 1 : i32
          %mul3A_485 = arith.muli %mul3A_484, %add3A_306 : i32
          %mul3A_486 = arith.constant 8 : i32
          %mul3A_487 = arith.muli %mul3A_486, %add3A_307 : i32
          %dma_start3A_488 = arith.constant 0 : i32
          %dma_start3A_489 = arith.constant 0 : i32
          %dma_start3A_490 = arith.constant 0 : i32
          %dma_start3A_491 = tpu.memref_slice %run_scoped3A[%rem3A_483, %dma_start3A_488, %dma_start3A_489, %dma_start3A_490] : memref<2x1x8x2048xf32, #tpu.memory_space<vmem>> -> memref<1x1x8x2048xf32, #tpu.memory_space<vmem>>
          %dma_start3A_492 = tpu.memref_squeeze %dma_start3A_491 : memref<1x1x8x2048xf32, #tpu.memory_space<vmem>> -> memref<1x8x2048xf32, #tpu.memory_space<vmem>>
          %dma_start3A_493 = arith.constant 0 : i32
          %dma_start3A_494 = tpu.memref_slice %arg2[%mul3A_485, %mul3A_487, %dma_start3A_493] : memref<2x8192x2048xf32, #tpu.memory_space<hbm>> -> memref<1x8x2048xf32, #tpu.memory_space<hbm>>
          %dma_start3A_495 = tpu.memref_slice %run_scoped3A_7[%rem3A_483] : memref<2x!tpu.dma_semaphore, #tpu.memory_space<semaphore_mem>> -> memref<1x!tpu.dma_semaphore, #tpu.memory_space<semaphore_mem>>
          %dma_start3A_496 = tpu.memref_squeeze %dma_start3A_495 : memref<1x!tpu.dma_semaphore, #tpu.memory_space<semaphore_mem>> -> memref<!tpu.dma_semaphore, #tpu.memory_space<semaphore_mem>>
          %dma_start3A_497 = arith.constant 0 : i32
          %dma_start3A_498 = arith.constant 0 : i32
          %dma_start3A_499 = arith.constant 0 : i32
          %dma_start3A_500 = tpu.memref_slice %run_scoped3A[%rem3A_483, %dma_start3A_497, %dma_start3A_498, %dma_start3A_499] : memref<2x1x8x2048xf32, #tpu.memory_space<vmem>> -> memref<1x1x8x2048xf32, #tpu.memory_space<vmem>>
          %dma_start3A_501 = tpu.memref_squeeze %dma_start3A_500 : memref<1x1x8x2048xf32, #tpu.memory_space<vmem>> -> memref<1x8x2048xf32, #tpu.memory_space<vmem>>
          %dma_start3A_502 = arith.constant 0 : i32
          %dma_start3A_503 = tpu.memref_slice %arg2[%mul3A_485, %mul3A_487, %dma_start3A_502] : memref<2x8192x2048xf32, #tpu.memory_space<hbm>> -> memref<1x8x2048xf32, #tpu.memory_space<hbm>>
          tpu.enqueue_dma source(%dma_start3A_503 : memref<1x8x2048xf32, #tpu.memory_space<hbm>>) target(%dma_start3A_501 : memref<1x8x2048xf32, #tpu.memory_space<vmem>>) target_semaphore(%dma_start3A_496 : memref<!tpu.dma_semaphore, #tpu.memory_space<semaphore_mem>>)
        } else {
        }
        %and3A_341 = arith.constant true
        %and3A_342 = arith.andi %and3A, %and3A_341 : i1
        %add3A_343 = arith.constant 1 : i32
        %add3A_344 = arith.addi %scan3A_244, %add3A_343 : i32
        %select_n3A_345 = arith.select %and3A_342, %add3A_344, %scan3A_244 : i32
        %ne3A_346 = arith.cmpi ne, %add3A_256, %add3A_306 : i32
        %ne3A_347 = arith.cmpi ne, %add3A_257, %add3A_307 : i32
        %or3A_348 = arith.constant false
        %or3A_349 = arith.ori %or3A_348, %ne3A_346 : i1
        %or3A_350 = arith.ori %or3A_349, %ne3A_347 : i1
        %or3A_351 = arith.constant false
        %or3A_352 = arith.ori %or3A_350, %or3A_351 : i1
        %ge3A_353 = arith.constant 63 : i32
        %ge3A_354 = arith.cmpi sge, %scan3A_243, %ge3A_353 : i32
        %not3A_355 = arith.constant true
        %not3A_356 = arith.xori %ge3A_354, %not3A_355 : i1
        %and3A_357 = arith.andi %or3A_352, %not3A_356 : i1
        %ne3A_358 = arith.cmpi ne, %add3A_256, %add3A_281 : i32
        %ne3A_359 = arith.cmpi ne, %add3A_257, %add3A_282 : i32
        %or3A_360 = arith.constant false
        %or3A_361 = arith.ori %or3A_360, %ne3A_358 : i1
        %or3A_362 = arith.ori %or3A_361, %ne3A_359 : i1
        %or3A_363 = arith.constant false
        %or3A_364 = arith.ori %or3A_362, %or3A_363 : i1
        %or3A_365 = arith.ori %or3A_364, %eq3A_252 : i1
        %convert_element_type3A_366 = arith.extui %or3A_365 : i1 to i32
        %cond3A_367 = arith.constant 0 : i32
        %cond3A_368 = arith.cmpi ne, %convert_element_type3A_366, %cond3A_367 : i32
        scf.if %cond3A_368 {
          %mul3A_482 = arith.constant 1 : i32
          %mul3A_483 = arith.muli %mul3A_482, %add3A_256 : i32
          %mul3A_484 = arith.constant 8 : i32
          %mul3A_485 = arith.muli %mul3A_484, %add3A_257 : i32
          %rem3A_486 = arith.constant 2 : i32
          %rem3A_487 = arith.remui %scan3A_245, %rem3A_486 : i32
          %dma_wait3A_488 = arith.constant 0 : i32
          %dma_wait3A_489 = arith.constant 0 : i32
          %dma_wait3A_490 = arith.constant 0 : i32
          %dma_wait3A_491 = tpu.memref_slice %run_scoped3A[%rem3A_487, %dma_wait3A_488, %dma_wait3A_489, %dma_wait3A_490] : memref<2x1x8x2048xf32, #tpu.memory_space<vmem>> -> memref<1x1x8x2048xf32, #tpu.memory_space<vmem>>
          %dma_wait3A_492 = tpu.memref_squeeze %dma_wait3A_491 : memref<1x1x8x2048xf32, #tpu.memory_space<vmem>> -> memref<1x8x2048xf32, #tpu.memory_space<vmem>>
          %dma_wait3A_493 = arith.constant 0 : i32
          %dma_wait3A_494 = tpu.memref_slice %arg2[%mul3A_483, %mul3A_485, %dma_wait3A_493] : memref<2x8192x2048xf32, #tpu.memory_space<hbm>> -> memref<1x8x2048xf32, #tpu.memory_space<hbm>>
          %dma_wait3A_495 = tpu.memref_slice %run_scoped3A_7[%rem3A_487] : memref<2x!tpu.dma_semaphore, #tpu.memory_space<semaphore_mem>> -> memref<1x!tpu.dma_semaphore, #tpu.memory_space<semaphore_mem>>
          %dma_wait3A_496 = tpu.memref_squeeze %dma_wait3A_495 : memref<1x!tpu.dma_semaphore, #tpu.memory_space<semaphore_mem>> -> memref<!tpu.dma_semaphore, #tpu.memory_space<semaphore_mem>>
          %dma_wait3A_497 = arith.constant 0 : i32
          %dma_wait3A_498 = arith.constant 0 : i32
          %dma_wait3A_499 = arith.constant 0 : i32
          %dma_wait3A_500 = tpu.memref_slice %run_scoped3A[%rem3A_487, %dma_wait3A_497, %dma_wait3A_498, %dma_wait3A_499] : memref<2x1x8x2048xf32, #tpu.memory_space<vmem>> -> memref<1x1x8x2048xf32, #tpu.memory_space<vmem>>
          %dma_wait3A_501 = tpu.memref_squeeze %dma_wait3A_500 : memref<1x1x8x2048xf32, #tpu.memory_space<vmem>> -> memref<1x8x2048xf32, #tpu.memory_space<vmem>>
          %dma_wait3A_502 = arith.constant 0 : i32
          %dma_wait3A_503 = tpu.memref_slice %arg2[%mul3A_483, %mul3A_485, %dma_wait3A_502] : memref<2x8192x2048xf32, #tpu.memory_space<hbm>> -> memref<1x8x2048xf32, #tpu.memory_space<hbm>>
          tpu.wait_dma2 semaphore(%dma_wait3A_496 : memref<!tpu.dma_semaphore, #tpu.memory_space<semaphore_mem>>) src(%dma_wait3A_503 : memref<1x8x2048xf32, #tpu.memory_space<hbm>>) dst(%dma_wait3A_501 : memref<1x8x2048xf32, #tpu.memory_space<vmem>>)
        } else {
        }
        %ne3A_369 = arith.cmpi ne, %add3A_256, %add3A_281 : i32
        %ne3A_370 = arith.cmpi ne, %add3A_257, %add3A_282 : i32
        %or3A_371 = arith.constant false
        %or3A_372 = arith.ori %or3A_371, %ne3A_369 : i1
        %or3A_373 = arith.ori %or3A_372, %ne3A_370 : i1
        %or3A_374 = arith.constant false
        %or3A_375 = arith.ori %or3A_373, %or3A_374 : i1
        %or3A_376 = arith.ori %or3A_375, %eq3A_252 : i1
        %convert_element_type3A_377 = arith.extui %or3A_376 : i1 to i32
        %cond3A_378 = arith.constant 0 : i32
        %cond3A_379 = arith.cmpi ne, %convert_element_type3A_377, %cond3A_378 : i32
        scf.if %cond3A_379 {
        } else {
        }
        %rem3A_380 = arith.constant 2 : i32
        %rem3A_381 = arith.remui %scan3A_245, %rem3A_380 : i32
        %rem3A_382 = arith.constant 2 : i32
        %rem3A_383 = arith.remui %scan3A_246, %rem3A_382 : i32
        %iota3A = tpu.iota {dimensions = array<i32: 0>} : vector<16xi32>
        %parallel_loop3A = arith.constant 0 : i32
        %parallel_loop3A_384 = arith.constant 16384 : i32
        %parallel_loop3A_385 = arith.constant 128 : i32
        scf.for %parallel_loop3A_482 = %parallel_loop3A to %parallel_loop3A_384 step %parallel_loop3A_385  : i32 {
          %parallel_loop3A_483 = arith.constant 11 : i32
          %parallel_loop3A_484 = arith.shrui %parallel_loop3A_482, %parallel_loop3A_483 : i32
          %parallel_loop3A_485 = arith.constant 2047 : i32
          %parallel_loop3A_486 = arith.andi %parallel_loop3A_482, %parallel_loop3A_485 : i32
          %parallel_loop3A_487 = arith.constant 0 : i32
          %parallel_loop3A_488 = arith.addi %parallel_loop3A_486, %parallel_loop3A_487 : i32
          %parallel_loop3A_489 = arith.constant 0 : i32
          %parallel_loop3A_490 = arith.constant 0 : i32
          %parallel_loop3A_491 = arith.constant 0 : i32
          %parallel_loop3A_492 = arith.constant 0 : i32
          %parallel_loop3A_493 = tpu.memref_slice %run_scoped3A[%rem3A_381, %parallel_loop3A_490, %parallel_loop3A_491, %parallel_loop3A_492] : memref<2x1x8x2048xf32, #tpu.memory_space<vmem>> -> memref<1x1x8x2048xf32, #tpu.memory_space<vmem>>
          %parallel_loop3A_494 = tpu.memref_squeeze %parallel_loop3A_493 : memref<1x1x8x2048xf32, #tpu.memory_space<vmem>> -> memref<1x8x2048xf32, #tpu.memory_space<vmem>>
          %parallel_loop3A_495 = arith.index_cast %parallel_loop3A_489 : i32 to index
          %parallel_loop3A_496 = arith.index_cast %parallel_loop3A_484 : i32 to index
          %parallel_loop3A_497 = arith.index_cast %parallel_loop3A_488 : i32 to index
          %parallel_loop3A_498 = tpu.vector_load %parallel_loop3A_494[%parallel_loop3A_495, %parallel_loop3A_496, %parallel_loop3A_497] {strides = array<i32>} : memref<1x8x2048xf32, #tpu.memory_space<vmem>>, vector<16xf32>,
          %parallel_loop3A_499 = arith.constant 6.400000e+01 : f32
          %parallel_loop3A_500 = vector.broadcast %parallel_loop3A_499 : f32 to vector<16xf32>
          %parallel_loop3A_501 = arith.mulf %parallel_loop3A_498, %parallel_loop3A_500 : vector<16xf32>
          %parallel_loop3A_502 = arith.constant 0x4B400000 : f32
          %parallel_loop3A_503 = vector.broadcast %parallel_loop3A_502 : f32 to vector<16xf32>
          %parallel_loop3A_504 = arith.addf %parallel_loop3A_501, %parallel_loop3A_503 : vector<16xf32>
          %parallel_loop3A_505 = vector.bitcast %parallel_loop3A_504 : vector<16xf32> to vector<16xi32>
          %parallel_loop3A_506 = arith.constant 4 : i32
          %parallel_loop3A_507 = vector.broadcast %parallel_loop3A_506 : i32 to vector<16xi32>
          %parallel_loop3A_508 = arith.shli %parallel_loop3A_505, %parallel_loop3A_507 : vector<16xi32>
          %parallel_loop3A_509 = arith.constant 32767 : i32
          %parallel_loop3A_510 = vector.broadcast %parallel_loop3A_509 : i32 to vector<16xi32>
          %parallel_loop3A_511 = arith.andi %parallel_loop3A_508, %parallel_loop3A_510 : vector<16xi32>
          %parallel_loop3A_512 = arith.ori %parallel_loop3A_511, %iota3A : vector<16xi32>
          %parallel_loop3A_513 = tpu.vector_load_idx %arg5[%parallel_loop3A_512] : memref<32768xf32, #tpu.memory_space<vmem>>[vector<16xi32>], vector<16xf32>,
          %parallel_loop3A_514 = arith.constant 0 : i32
          %parallel_loop3A_515 = arith.constant 0 : i32
          %parallel_loop3A_516 = arith.constant 0 : i32
          %parallel_loop3A_517 = arith.constant 0 : i32
          %parallel_loop3A_518 = tpu.memref_slice %run_scoped3A_8[%rem3A_383, %parallel_loop3A_515, %parallel_loop3A_516, %parallel_loop3A_517] : memref<2x1x8x2048xf32, #tpu.memory_space<vmem>> -> memref<1x1x8x2048xf32, #tpu.memory_space<vmem>>
          %parallel_loop3A_519 = tpu.memref_squeeze %parallel_loop3A_518 : memref<1x1x8x2048xf32, #tpu.memory_space<vmem>> -> memref<1x8x2048xf32, #tpu.memory_space<vmem>>
          %parallel_loop3A_520 = arith.index_cast %parallel_loop3A_514 : i32 to index
          %parallel_loop3A_521 = arith.index_cast %parallel_loop3A_484 : i32 to index
          %parallel_loop3A_522 = arith.index_cast %parallel_loop3A_488 : i32 to index
          %parallel_loop3A_523 = tpu.vector_load %parallel_loop3A_519[%parallel_loop3A_520, %parallel_loop3A_521, %parallel_loop3A_522] {strides = array<i32>} : memref<1x8x2048xf32, #tpu.memory_space<vmem>>, vector<16xf32>,
          tpu.vector_store %parallel_loop3A_519[%parallel_loop3A_520, %parallel_loop3A_521, %parallel_loop3A_522], %parallel_loop3A_513 {strides = array<i32>} : memref<1x8x2048xf32, #tpu.memory_space<vmem>>, vector<16xf32>,
          %parallel_loop3A_524 = arith.constant 16 : i32
          %parallel_loop3A_525 = arith.addi %parallel_loop3A_486, %parallel_loop3A_524 : i32
          %parallel_loop3A_526 = arith.constant 0 : i32
          %parallel_loop3A_527 = arith.constant 0 : i32
          %parallel_loop3A_528 = arith.constant 0 : i32
          %parallel_loop3A_529 = arith.constant 0 : i32
          %parallel_loop3A_530 = tpu.memref_slice %run_scoped3A[%rem3A_381, %parallel_loop3A_527, %parallel_loop3A_528, %parallel_loop3A_529] : memref<2x1x8x2048xf32, #tpu.memory_space<vmem>> -> memref<1x1x8x2048xf32, #tpu.memory_space<vmem>>
          %parallel_loop3A_531 = tpu.memref_squeeze %parallel_loop3A_530 : memref<1x1x8x2048xf32, #tpu.memory_space<vmem>> -> memref<1x8x2048xf32, #tpu.memory_space<vmem>>
          %parallel_loop3A_532 = arith.index_cast %parallel_loop3A_526 : i32 to index
          %parallel_loop3A_533 = arith.index_cast %parallel_loop3A_484 : i32 to index
          %parallel_loop3A_534 = arith.index_cast %parallel_loop3A_525 : i32 to index
          %parallel_loop3A_535 = tpu.vector_load %parallel_loop3A_531[%parallel_loop3A_532, %parallel_loop3A_533, %parallel_loop3A_534] {strides = array<i32>} : memref<1x8x2048xf32, #tpu.memory_space<vmem>>, vector<16xf32>,
          %parallel_loop3A_536 = arith.constant 6.400000e+01 : f32
          %parallel_loop3A_537 = vector.broadcast %parallel_loop3A_536 : f32 to vector<16xf32>
          %parallel_loop3A_538 = arith.mulf %parallel_loop3A_535, %parallel_loop3A_537 : vector<16xf32>
          %parallel_loop3A_539 = arith.constant 0x4B400000 : f32
          %parallel_loop3A_540 = vector.broadcast %parallel_loop3A_539 : f32 to vector<16xf32>
          %parallel_loop3A_541 = arith.addf %parallel_loop3A_538, %parallel_loop3A_540 : vector<16xf32>
          %parallel_loop3A_542 = vector.bitcast %parallel_loop3A_541 : vector<16xf32> to vector<16xi32>
          %parallel_loop3A_543 = arith.constant 4 : i32
          %parallel_loop3A_544 = vector.broadcast %parallel_loop3A_543 : i32 to vector<16xi32>
          %parallel_loop3A_545 = arith.shli %parallel_loop3A_542, %parallel_loop3A_544 : vector<16xi32>
          %parallel_loop3A_546 = arith.constant 32767 : i32
          %parallel_loop3A_547 = vector.broadcast %parallel_loop3A_546 : i32 to vector<16xi32>
          %parallel_loop3A_548 = arith.andi %parallel_loop3A_545, %parallel_loop3A_547 : vector<16xi32>
          %parallel_loop3A_549 = arith.ori %parallel_loop3A_548, %iota3A : vector<16xi32>
          %parallel_loop3A_550 = tpu.vector_load_idx %arg5[%parallel_loop3A_549] : memref<32768xf32, #tpu.memory_space<vmem>>[vector<16xi32>], vector<16xf32>,
          %parallel_loop3A_551 = arith.constant 0 : i32
          %parallel_loop3A_552 = arith.constant 0 : i32
          %parallel_loop3A_553 = arith.constant 0 : i32
          %parallel_loop3A_554 = arith.constant 0 : i32
          %parallel_loop3A_555 = tpu.memref_slice %run_scoped3A_8[%rem3A_383, %parallel_loop3A_552, %parallel_loop3A_553, %parallel_loop3A_554] : memref<2x1x8x2048xf32, #tpu.memory_space<vmem>> -> memref<1x1x8x2048xf32, #tpu.memory_space<vmem>>
          %parallel_loop3A_556 = tpu.memref_squeeze %parallel_loop3A_555 : memref<1x1x8x2048xf32, #tpu.memory_space<vmem>> -> memref<1x8x2048xf32, #tpu.memory_space<vmem>>
          %parallel_loop3A_557 = arith.index_cast %parallel_loop3A_551 : i32 to index
          %parallel_loop3A_558 = arith.index_cast %parallel_loop3A_484 : i32 to index
          %parallel_loop3A_559 = arith.index_cast %parallel_loop3A_525 : i32 to index
          %parallel_loop3A_560 = tpu.vector_load %parallel_loop3A_556[%parallel_loop3A_557, %parallel_loop3A_558, %parallel_loop3A_559] {strides = array<i32>} : memref<1x8x2048xf32, #tpu.memory_space<vmem>>, vector<16xf32>,
          tpu.vector_store %parallel_loop3A_556[%parallel_loop3A_557, %parallel_loop3A_558, %parallel_loop3A_559], %parallel_loop3A_550 {strides = array<i32>} : memref<1x8x2048xf32, #tpu.memory_space<vmem>>, vector<16xf32>,
          %parallel_loop3A_561 = arith.constant 32 : i32
          %parallel_loop3A_562 = arith.addi %parallel_loop3A_486, %parallel_loop3A_561 : i32
          %parallel_loop3A_563 = arith.constant 0 : i32
          %parallel_loop3A_564 = arith.constant 0 : i32
          %parallel_loop3A_565 = arith.constant 0 : i32
          %parallel_loop3A_566 = arith.constant 0 : i32
          %parallel_loop3A_567 = tpu.memref_slice %run_scoped3A[%rem3A_381, %parallel_loop3A_564, %parallel_loop3A_565, %parallel_loop3A_566] : memref<2x1x8x2048xf32, #tpu.memory_space<vmem>> -> memref<1x1x8x2048xf32, #tpu.memory_space<vmem>>
          %parallel_loop3A_568 = tpu.memref_squeeze %parallel_loop3A_567 : memref<1x1x8x2048xf32, #tpu.memory_space<vmem>> -> memref<1x8x2048xf32, #tpu.memory_space<vmem>>
          %parallel_loop3A_569 = arith.index_cast %parallel_loop3A_563 : i32 to index
          %parallel_loop3A_570 = arith.index_cast %parallel_loop3A_484 : i32 to index
          %parallel_loop3A_571 = arith.index_cast %parallel_loop3A_562 : i32 to index
          %parallel_loop3A_572 = tpu.vector_load %parallel_loop3A_568[%parallel_loop3A_569, %parallel_loop3A_570, %parallel_loop3A_571] {strides = array<i32>} : memref<1x8x2048xf32, #tpu.memory_space<vmem>>, vector<16xf32>,
          %parallel_loop3A_573 = arith.constant 6.400000e+01 : f32
          %parallel_loop3A_574 = vector.broadcast %parallel_loop3A_573 : f32 to vector<16xf32>
          %parallel_loop3A_575 = arith.mulf %parallel_loop3A_572, %parallel_loop3A_574 : vector<16xf32>
          %parallel_loop3A_576 = arith.constant 0x4B400000 : f32
          %parallel_loop3A_577 = vector.broadcast %parallel_loop3A_576 : f32 to vector<16xf32>
          %parallel_loop3A_578 = arith.addf %parallel_loop3A_575, %parallel_loop3A_577 : vector<16xf32>
          %parallel_loop3A_579 = vector.bitcast %parallel_loop3A_578 : vector<16xf32> to vector<16xi32>
          %parallel_loop3A_580 = arith.constant 4 : i32
          %parallel_loop3A_581 = vector.broadcast %parallel_loop3A_580 : i32 to vector<16xi32>
          %parallel_loop3A_582 = arith.shli %parallel_loop3A_579, %parallel_loop3A_581 : vector<16xi32>
          %parallel_loop3A_583 = arith.constant 32767 : i32
          %parallel_loop3A_584 = vector.broadcast %parallel_loop3A_583 : i32 to vector<16xi32>
          %parallel_loop3A_585 = arith.andi %parallel_loop3A_582, %parallel_loop3A_584 : vector<16xi32>
          %parallel_loop3A_586 = arith.ori %parallel_loop3A_585, %iota3A : vector<16xi32>
          %parallel_loop3A_587 = tpu.vector_load_idx %arg5[%parallel_loop3A_586] : memref<32768xf32, #tpu.memory_space<vmem>>[vector<16xi32>], vector<16xf32>,
          %parallel_loop3A_588 = arith.constant 0 : i32
          %parallel_loop3A_589 = arith.constant 0 : i32
          %parallel_loop3A_590 = arith.constant 0 : i32
          %parallel_loop3A_591 = arith.constant 0 : i32
          %parallel_loop3A_592 = tpu.memref_slice %run_scoped3A_8[%rem3A_383, %parallel_loop3A_589, %parallel_loop3A_590, %parallel_loop3A_591] : memref<2x1x8x2048xf32, #tpu.memory_space<vmem>> -> memref<1x1x8x2048xf32, #tpu.memory_space<vmem>>
          %parallel_loop3A_593 = tpu.memref_squeeze %parallel_loop3A_592 : memref<1x1x8x2048xf32, #tpu.memory_space<vmem>> -> memref<1x8x2048xf32, #tpu.memory_space<vmem>>
          %parallel_loop3A_594 = arith.index_cast %parallel_loop3A_588 : i32 to index
          %parallel_loop3A_595 = arith.index_cast %parallel_loop3A_484 : i32 to index
          %parallel_loop3A_596 = arith.index_cast %parallel_loop3A_562 : i32 to index
          %parallel_loop3A_597 = tpu.vector_load %parallel_loop3A_593[%parallel_loop3A_594, %parallel_loop3A_595, %parallel_loop3A_596] {strides = array<i32>} : memref<1x8x2048xf32, #tpu.memory_space<vmem>>, vector<16xf32>,
          tpu.vector_store %parallel_loop3A_593[%parallel_loop3A_594, %parallel_loop3A_595, %parallel_loop3A_596], %parallel_loop3A_587 {strides = array<i32>} : memref<1x8x2048xf32, #tpu.memory_space<vmem>>, vector<16xf32>,
          %parallel_loop3A_598 = arith.constant 48 : i32
          %parallel_loop3A_599 = arith.addi %parallel_loop3A_486, %parallel_loop3A_598 : i32
          %parallel_loop3A_600 = arith.constant 0 : i32
          %parallel_loop3A_601 = arith.constant 0 : i32
          %parallel_loop3A_602 = arith.constant 0 : i32
          %parallel_loop3A_603 = arith.constant 0 : i32
          %parallel_loop3A_604 = tpu.memref_slice %run_scoped3A[%rem3A_381, %parallel_loop3A_601, %parallel_loop3A_602, %parallel_loop3A_603] : memref<2x1x8x2048xf32, #tpu.memory_space<vmem>> -> memref<1x1x8x2048xf32, #tpu.memory_space<vmem>>
          %parallel_loop3A_605 = tpu.memref_squeeze %parallel_loop3A_604 : memref<1x1x8x2048xf32, #tpu.memory_space<vmem>> -> memref<1x8x2048xf32, #tpu.memory_space<vmem>>
          %parallel_loop3A_606 = arith.index_cast %parallel_loop3A_600 : i32 to index
          %parallel_loop3A_607 = arith.index_cast %parallel_loop3A_484 : i32 to index
          %parallel_loop3A_608 = arith.index_cast %parallel_loop3A_599 : i32 to index
          %parallel_loop3A_609 = tpu.vector_load %parallel_loop3A_605[%parallel_loop3A_606, %parallel_loop3A_607, %parallel_loop3A_608] {strides = array<i32>} : memref<1x8x2048xf32, #tpu.memory_space<vmem>>, vector<16xf32>,
          %parallel_loop3A_610 = arith.constant 6.400000e+01 : f32
          %parallel_loop3A_611 = vector.broadcast %parallel_loop3A_610 : f32 to vector<16xf32>
          %parallel_loop3A_612 = arith.mulf %parallel_loop3A_609, %parallel_loop3A_611 : vector<16xf32>
          %parallel_loop3A_613 = arith.constant 0x4B400000 : f32
          %parallel_loop3A_614 = vector.broadcast %parallel_loop3A_613 : f32 to vector<16xf32>
          %parallel_loop3A_615 = arith.addf %parallel_loop3A_612, %parallel_loop3A_614 : vector<16xf32>
          %parallel_loop3A_616 = vector.bitcast %parallel_loop3A_615 : vector<16xf32> to vector<16xi32>
          %parallel_loop3A_617 = arith.constant 4 : i32
          %parallel_loop3A_618 = vector.broadcast %parallel_loop3A_617 : i32 to vector<16xi32>
          %parallel_loop3A_619 = arith.shli %parallel_loop3A_616, %parallel_loop3A_618 : vector<16xi32>
          %parallel_loop3A_620 = arith.constant 32767 : i32
          %parallel_loop3A_621 = vector.broadcast %parallel_loop3A_620 : i32 to vector<16xi32>
          %parallel_loop3A_622 = arith.andi %parallel_loop3A_619, %parallel_loop3A_621 : vector<16xi32>
          %parallel_loop3A_623 = arith.ori %parallel_loop3A_622, %iota3A : vector<16xi32>
          %parallel_loop3A_624 = tpu.vector_load_idx %arg5[%parallel_loop3A_623] : memref<32768xf32, #tpu.memory_space<vmem>>[vector<16xi32>], vector<16xf32>,
          %parallel_loop3A_625 = arith.constant 0 : i32
          %parallel_loop3A_626 = arith.constant 0 : i32
          %parallel_loop3A_627 = arith.constant 0 : i32
          %parallel_loop3A_628 = arith.constant 0 : i32
          %parallel_loop3A_629 = tpu.memref_slice %run_scoped3A_8[%rem3A_383, %parallel_loop3A_626, %parallel_loop3A_627, %parallel_loop3A_628] : memref<2x1x8x2048xf32, #tpu.memory_space<vmem>> -> memref<1x1x8x2048xf32, #tpu.memory_space<vmem>>
          %parallel_loop3A_630 = tpu.memref_squeeze %parallel_loop3A_629 : memref<1x1x8x2048xf32, #tpu.memory_space<vmem>> -> memref<1x8x2048xf32, #tpu.memory_space<vmem>>
          %parallel_loop3A_631 = arith.index_cast %parallel_loop3A_625 : i32 to index
          %parallel_loop3A_632 = arith.index_cast %parallel_loop3A_484 : i32 to index
          %parallel_loop3A_633 = arith.index_cast %parallel_loop3A_599 : i32 to index
          %parallel_loop3A_634 = tpu.vector_load %parallel_loop3A_630[%parallel_loop3A_631, %parallel_loop3A_632, %parallel_loop3A_633] {strides = array<i32>} : memref<1x8x2048xf32, #tpu.memory_space<vmem>>, vector<16xf32>,
          tpu.vector_store %parallel_loop3A_630[%parallel_loop3A_631, %parallel_loop3A_632, %parallel_loop3A_633], %parallel_loop3A_624 {strides = array<i32>} : memref<1x8x2048xf32, #tpu.memory_space<vmem>>, vector<16xf32>,
          %parallel_loop3A_635 = arith.constant 64 : i32
          %parallel_loop3A_636 = arith.addi %parallel_loop3A_486, %parallel_loop3A_635 : i32
          %parallel_loop3A_637 = arith.constant 0 : i32
          %parallel_loop3A_638 = arith.constant 0 : i32
          %parallel_loop3A_639 = arith.constant 0 : i32
          %parallel_loop3A_640 = arith.constant 0 : i32
          %parallel_loop3A_641 = tpu.memref_slice %run_scoped3A[%rem3A_381, %parallel_loop3A_638, %parallel_loop3A_639, %parallel_loop3A_640] : memref<2x1x8x2048xf32, #tpu.memory_space<vmem>> -> memref<1x1x8x2048xf32, #tpu.memory_space<vmem>>
          %parallel_loop3A_642 = tpu.memref_squeeze %parallel_loop3A_641 : memref<1x1x8x2048xf32, #tpu.memory_space<vmem>> -> memref<1x8x2048xf32, #tpu.memory_space<vmem>>
          %parallel_loop3A_643 = arith.index_cast %parallel_loop3A_637 : i32 to index
          %parallel_loop3A_644 = arith.index_cast %parallel_loop3A_484 : i32 to index
          %parallel_loop3A_645 = arith.index_cast %parallel_loop3A_636 : i32 to index
          %parallel_loop3A_646 = tpu.vector_load %parallel_loop3A_642[%parallel_loop3A_643, %parallel_loop3A_644, %parallel_loop3A_645] {strides = array<i32>} : memref<1x8x2048xf32, #tpu.memory_space<vmem>>, vector<16xf32>,
          %parallel_loop3A_647 = arith.constant 6.400000e+01 : f32
          %parallel_loop3A_648 = vector.broadcast %parallel_loop3A_647 : f32 to vector<16xf32>
          %parallel_loop3A_649 = arith.mulf %parallel_loop3A_646, %parallel_loop3A_648 : vector<16xf32>
          %parallel_loop3A_650 = arith.constant 0x4B400000 : f32
          %parallel_loop3A_651 = vector.broadcast %parallel_loop3A_650 : f32 to vector<16xf32>
          %parallel_loop3A_652 = arith.addf %parallel_loop3A_649, %parallel_loop3A_651 : vector<16xf32>
          %parallel_loop3A_653 = vector.bitcast %parallel_loop3A_652 : vector<16xf32> to vector<16xi32>
          %parallel_loop3A_654 = arith.constant 4 : i32
          %parallel_loop3A_655 = vector.broadcast %parallel_loop3A_654 : i32 to vector<16xi32>
          %parallel_loop3A_656 = arith.shli %parallel_loop3A_653, %parallel_loop3A_655 : vector<16xi32>
          %parallel_loop3A_657 = arith.constant 32767 : i32
          %parallel_loop3A_658 = vector.broadcast %parallel_loop3A_657 : i32 to vector<16xi32>
          %parallel_loop3A_659 = arith.andi %parallel_loop3A_656, %parallel_loop3A_658 : vector<16xi32>
          %parallel_loop3A_660 = arith.ori %parallel_loop3A_659, %iota3A : vector<16xi32>
          %parallel_loop3A_661 = tpu.vector_load_idx %arg5[%parallel_loop3A_660] : memref<32768xf32, #tpu.memory_space<vmem>>[vector<16xi32>], vector<16xf32>,
          %parallel_loop3A_662 = arith.constant 0 : i32
          %parallel_loop3A_663 = arith.constant 0 : i32
          %parallel_loop3A_664 = arith.constant 0 : i32
          %parallel_loop3A_665 = arith.constant 0 : i32
          %parallel_loop3A_666 = tpu.memref_slice %run_scoped3A_8[%rem3A_383, %parallel_loop3A_663, %parallel_loop3A_664, %parallel_loop3A_665] : memref<2x1x8x2048xf32, #tpu.memory_space<vmem>> -> memref<1x1x8x2048xf32, #tpu.memory_space<vmem>>
          %parallel_loop3A_667 = tpu.memref_squeeze %parallel_loop3A_666 : memref<1x1x8x2048xf32, #tpu.memory_space<vmem>> -> memref<1x8x2048xf32, #tpu.memory_space<vmem>>
          %parallel_loop3A_668 = arith.index_cast %parallel_loop3A_662 : i32 to index
          %parallel_loop3A_669 = arith.index_cast %parallel_loop3A_484 : i32 to index
          %parallel_loop3A_670 = arith.index_cast %parallel_loop3A_636 : i32 to index
          %parallel_loop3A_671 = tpu.vector_load %parallel_loop3A_667[%parallel_loop3A_668, %parallel_loop3A_669, %parallel_loop3A_670] {strides = array<i32>} : memref<1x8x2048xf32, #tpu.memory_space<vmem>>, vector<16xf32>,
          tpu.vector_store %parallel_loop3A_667[%parallel_loop3A_668, %parallel_loop3A_669, %parallel_loop3A_670], %parallel_loop3A_661 {strides = array<i32>} : memref<1x8x2048xf32, #tpu.memory_space<vmem>>, vector<16xf32>,
          %parallel_loop3A_672 = arith.constant 80 : i32
          %parallel_loop3A_673 = arith.addi %parallel_loop3A_486, %parallel_loop3A_672 : i32
          %parallel_loop3A_674 = arith.constant 0 : i32
          %parallel_loop3A_675 = arith.constant 0 : i32
          %parallel_loop3A_676 = arith.constant 0 : i32
          %parallel_loop3A_677 = arith.constant 0 : i32
          %parallel_loop3A_678 = tpu.memref_slice %run_scoped3A[%rem3A_381, %parallel_loop3A_675, %parallel_loop3A_676, %parallel_loop3A_677] : memref<2x1x8x2048xf32, #tpu.memory_space<vmem>> -> memref<1x1x8x2048xf32, #tpu.memory_space<vmem>>
          %parallel_loop3A_679 = tpu.memref_squeeze %parallel_loop3A_678 : memref<1x1x8x2048xf32, #tpu.memory_space<vmem>> -> memref<1x8x2048xf32, #tpu.memory_space<vmem>>
          %parallel_loop3A_680 = arith.index_cast %parallel_loop3A_674 : i32 to index
          %parallel_loop3A_681 = arith.index_cast %parallel_loop3A_484 : i32 to index
          %parallel_loop3A_682 = arith.index_cast %parallel_loop3A_673 : i32 to index
          %parallel_loop3A_683 = tpu.vector_load %parallel_loop3A_679[%parallel_loop3A_680, %parallel_loop3A_681, %parallel_loop3A_682] {strides = array<i32>} : memref<1x8x2048xf32, #tpu.memory_space<vmem>>, vector<16xf32>,
          %parallel_loop3A_684 = arith.constant 6.400000e+01 : f32
          %parallel_loop3A_685 = vector.broadcast %parallel_loop3A_684 : f32 to vector<16xf32>
          %parallel_loop3A_686 = arith.mulf %parallel_loop3A_683, %parallel_loop3A_685 : vector<16xf32>
          %parallel_loop3A_687 = arith.constant 0x4B400000 : f32
          %parallel_loop3A_688 = vector.broadcast %parallel_loop3A_687 : f32 to vector<16xf32>
          %parallel_loop3A_689 = arith.addf %parallel_loop3A_686, %parallel_loop3A_688 : vector<16xf32>
          %parallel_loop3A_690 = vector.bitcast %parallel_loop3A_689 : vector<16xf32> to vector<16xi32>
          %parallel_loop3A_691 = arith.constant 4 : i32
          %parallel_loop3A_692 = vector.broadcast %parallel_loop3A_691 : i32 to vector<16xi32>
          %parallel_loop3A_693 = arith.shli %parallel_loop3A_690, %parallel_loop3A_692 : vector<16xi32>
          %parallel_loop3A_694 = arith.constant 32767 : i32
          %parallel_loop3A_695 = vector.broadcast %parallel_loop3A_694 : i32 to vector<16xi32>
          %parallel_loop3A_696 = arith.andi %parallel_loop3A_693, %parallel_loop3A_695 : vector<16xi32>
          %parallel_loop3A_697 = arith.ori %parallel_loop3A_696, %iota3A : vector<16xi32>
          %parallel_loop3A_698 = tpu.vector_load_idx %arg5[%parallel_loop3A_697] : memref<32768xf32, #tpu.memory_space<vmem>>[vector<16xi32>], vector<16xf32>,
          %parallel_loop3A_699 = arith.constant 0 : i32
          %parallel_loop3A_700 = arith.constant 0 : i32
          %parallel_loop3A_701 = arith.constant 0 : i32
          %parallel_loop3A_702 = arith.constant 0 : i32
          %parallel_loop3A_703 = tpu.memref_slice %run_scoped3A_8[%rem3A_383, %parallel_loop3A_700, %parallel_loop3A_701, %parallel_loop3A_702] : memref<2x1x8x2048xf32, #tpu.memory_space<vmem>> -> memref<1x1x8x2048xf32, #tpu.memory_space<vmem>>
          %parallel_loop3A_704 = tpu.memref_squeeze %parallel_loop3A_703 : memref<1x1x8x2048xf32, #tpu.memory_space<vmem>> -> memref<1x8x2048xf32, #tpu.memory_space<vmem>>
          %parallel_loop3A_705 = arith.index_cast %parallel_loop3A_699 : i32 to index
          %parallel_loop3A_706 = arith.index_cast %parallel_loop3A_484 : i32 to index
          %parallel_loop3A_707 = arith.index_cast %parallel_loop3A_673 : i32 to index
          %parallel_loop3A_708 = tpu.vector_load %parallel_loop3A_704[%parallel_loop3A_705, %parallel_loop3A_706, %parallel_loop3A_707] {strides = array<i32>} : memref<1x8x2048xf32, #tpu.memory_space<vmem>>, vector<16xf32>,
          tpu.vector_store %parallel_loop3A_704[%parallel_loop3A_705, %parallel_loop3A_706, %parallel_loop3A_707], %parallel_loop3A_698 {strides = array<i32>} : memref<1x8x2048xf32, #tpu.memory_space<vmem>>, vector<16xf32>,
          %parallel_loop3A_709 = arith.constant 96 : i32
          %parallel_loop3A_710 = arith.addi %parallel_loop3A_486, %parallel_loop3A_709 : i32
          %parallel_loop3A_711 = arith.constant 0 : i32
          %parallel_loop3A_712 = arith.constant 0 : i32
          %parallel_loop3A_713 = arith.constant 0 : i32
          %parallel_loop3A_714 = arith.constant 0 : i32
          %parallel_loop3A_715 = tpu.memref_slice %run_scoped3A[%rem3A_381, %parallel_loop3A_712, %parallel_loop3A_713, %parallel_loop3A_714] : memref<2x1x8x2048xf32, #tpu.memory_space<vmem>> -> memref<1x1x8x2048xf32, #tpu.memory_space<vmem>>
          %parallel_loop3A_716 = tpu.memref_squeeze %parallel_loop3A_715 : memref<1x1x8x2048xf32, #tpu.memory_space<vmem>> -> memref<1x8x2048xf32, #tpu.memory_space<vmem>>
          %parallel_loop3A_717 = arith.index_cast %parallel_loop3A_711 : i32 to index
          %parallel_loop3A_718 = arith.index_cast %parallel_loop3A_484 : i32 to index
          %parallel_loop3A_719 = arith.index_cast %parallel_loop3A_710 : i32 to index
          %parallel_loop3A_720 = tpu.vector_load %parallel_loop3A_716[%parallel_loop3A_717, %parallel_loop3A_718, %parallel_loop3A_719] {strides = array<i32>} : memref<1x8x2048xf32, #tpu.memory_space<vmem>>, vector<16xf32>,
          %parallel_loop3A_721 = arith.constant 6.400000e+01 : f32
          %parallel_loop3A_722 = vector.broadcast %parallel_loop3A_721 : f32 to vector<16xf32>
          %parallel_loop3A_723 = arith.mulf %parallel_loop3A_720, %parallel_loop3A_722 : vector<16xf32>
          %parallel_loop3A_724 = arith.constant 0x4B400000 : f32
          %parallel_loop3A_725 = vector.broadcast %parallel_loop3A_724 : f32 to vector<16xf32>
          %parallel_loop3A_726 = arith.addf %parallel_loop3A_723, %parallel_loop3A_725 : vector<16xf32>
          %parallel_loop3A_727 = vector.bitcast %parallel_loop3A_726 : vector<16xf32> to vector<16xi32>
          %parallel_loop3A_728 = arith.constant 4 : i32
          %parallel_loop3A_729 = vector.broadcast %parallel_loop3A_728 : i32 to vector<16xi32>
          %parallel_loop3A_730 = arith.shli %parallel_loop3A_727, %parallel_loop3A_729 : vector<16xi32>
          %parallel_loop3A_731 = arith.constant 32767 : i32
          %parallel_loop3A_732 = vector.broadcast %parallel_loop3A_731 : i32 to vector<16xi32>
          %parallel_loop3A_733 = arith.andi %parallel_loop3A_730, %parallel_loop3A_732 : vector<16xi32>
          %parallel_loop3A_734 = arith.ori %parallel_loop3A_733, %iota3A : vector<16xi32>
          %parallel_loop3A_735 = tpu.vector_load_idx %arg5[%parallel_loop3A_734] : memref<32768xf32, #tpu.memory_space<vmem>>[vector<16xi32>], vector<16xf32>,
          %parallel_loop3A_736 = arith.constant 0 : i32
          %parallel_loop3A_737 = arith.constant 0 : i32
          %parallel_loop3A_738 = arith.constant 0 : i32
          %parallel_loop3A_739 = arith.constant 0 : i32
          %parallel_loop3A_740 = tpu.memref_slice %run_scoped3A_8[%rem3A_383, %parallel_loop3A_737, %parallel_loop3A_738, %parallel_loop3A_739] : memref<2x1x8x2048xf32, #tpu.memory_space<vmem>> -> memref<1x1x8x2048xf32, #tpu.memory_space<vmem>>
          %parallel_loop3A_741 = tpu.memref_squeeze %parallel_loop3A_740 : memref<1x1x8x2048xf32, #tpu.memory_space<vmem>> -> memref<1x8x2048xf32, #tpu.memory_space<vmem>>
          %parallel_loop3A_742 = arith.index_cast %parallel_loop3A_736 : i32 to index
          %parallel_loop3A_743 = arith.index_cast %parallel_loop3A_484 : i32 to index
          %parallel_loop3A_744 = arith.index_cast %parallel_loop3A_710 : i32 to index
          %parallel_loop3A_745 = tpu.vector_load %parallel_loop3A_741[%parallel_loop3A_742, %parallel_loop3A_743, %parallel_loop3A_744] {strides = array<i32>} : memref<1x8x2048xf32, #tpu.memory_space<vmem>>, vector<16xf32>,
          tpu.vector_store %parallel_loop3A_741[%parallel_loop3A_742, %parallel_loop3A_743, %parallel_loop3A_744], %parallel_loop3A_735 {strides = array<i32>} : memref<1x8x2048xf32, #tpu.memory_space<vmem>>, vector<16xf32>,
          %parallel_loop3A_746 = arith.constant 112 : i32
          %parallel_loop3A_747 = arith.addi %parallel_loop3A_486, %parallel_loop3A_746 : i32
          %parallel_loop3A_748 = arith.constant 0 : i32
          %parallel_loop3A_749 = arith.constant 0 : i32
          %parallel_loop3A_750 = arith.constant 0 : i32
          %parallel_loop3A_751 = arith.constant 0 : i32
          %parallel_loop3A_752 = tpu.memref_slice %run_scoped3A[%rem3A_381, %parallel_loop3A_749, %parallel_loop3A_750, %parallel_loop3A_751] : memref<2x1x8x2048xf32, #tpu.memory_space<vmem>> -> memref<1x1x8x2048xf32, #tpu.memory_space<vmem>>
          %parallel_loop3A_753 = tpu.memref_squeeze %parallel_loop3A_752 : memref<1x1x8x2048xf32, #tpu.memory_space<vmem>> -> memref<1x8x2048xf32, #tpu.memory_space<vmem>>
          %parallel_loop3A_754 = arith.index_cast %parallel_loop3A_748 : i32 to index
          %parallel_loop3A_755 = arith.index_cast %parallel_loop3A_484 : i32 to index
          %parallel_loop3A_756 = arith.index_cast %parallel_loop3A_747 : i32 to index
          %parallel_loop3A_757 = tpu.vector_load %parallel_loop3A_753[%parallel_loop3A_754, %parallel_loop3A_755, %parallel_loop3A_756] {strides = array<i32>} : memref<1x8x2048xf32, #tpu.memory_space<vmem>>, vector<16xf32>,
          %parallel_loop3A_758 = arith.constant 6.400000e+01 : f32
          %parallel_loop3A_759 = vector.broadcast %parallel_loop3A_758 : f32 to vector<16xf32>
          %parallel_loop3A_760 = arith.mulf %parallel_loop3A_757, %parallel_loop3A_759 : vector<16xf32>
          %parallel_loop3A_761 = arith.constant 0x4B400000 : f32
          %parallel_loop3A_762 = vector.broadcast %parallel_loop3A_761 : f32 to vector<16xf32>
          %parallel_loop3A_763 = arith.addf %parallel_loop3A_760, %parallel_loop3A_762 : vector<16xf32>
          %parallel_loop3A_764 = vector.bitcast %parallel_loop3A_763 : vector<16xf32> to vector<16xi32>
          %parallel_loop3A_765 = arith.constant 4 : i32
          %parallel_loop3A_766 = vector.broadcast %parallel_loop3A_765 : i32 to vector<16xi32>
          %parallel_loop3A_767 = arith.shli %parallel_loop3A_764, %parallel_loop3A_766 : vector<16xi32>
          %parallel_loop3A_768 = arith.constant 32767 : i32
          %parallel_loop3A_769 = vector.broadcast %parallel_loop3A_768 : i32 to vector<16xi32>
          %parallel_loop3A_770 = arith.andi %parallel_loop3A_767, %parallel_loop3A_769 : vector<16xi32>
          %parallel_loop3A_771 = arith.ori %parallel_loop3A_770, %iota3A : vector<16xi32>
          %parallel_loop3A_772 = tpu.vector_load_idx %arg5[%parallel_loop3A_771] : memref<32768xf32, #tpu.memory_space<vmem>>[vector<16xi32>], vector<16xf32>,
          %parallel_loop3A_773 = arith.constant 0 : i32
          %parallel_loop3A_774 = arith.constant 0 : i32
          %parallel_loop3A_775 = arith.constant 0 : i32
          %parallel_loop3A_776 = arith.constant 0 : i32
          %parallel_loop3A_777 = tpu.memref_slice %run_scoped3A_8[%rem3A_383, %parallel_loop3A_774, %parallel_loop3A_775, %parallel_loop3A_776] : memref<2x1x8x2048xf32, #tpu.memory_space<vmem>> -> memref<1x1x8x2048xf32, #tpu.memory_space<vmem>>
          %parallel_loop3A_778 = tpu.memref_squeeze %parallel_loop3A_777 : memref<1x1x8x2048xf32, #tpu.memory_space<vmem>> -> memref<1x8x2048xf32, #tpu.memory_space<vmem>>
          %parallel_loop3A_779 = arith.index_cast %parallel_loop3A_773 : i32 to index
          %parallel_loop3A_780 = arith.index_cast %parallel_loop3A_484 : i32 to index
          %parallel_loop3A_781 = arith.index_cast %parallel_loop3A_747 : i32 to index
          %parallel_loop3A_782 = tpu.vector_load %parallel_loop3A_778[%parallel_loop3A_779, %parallel_loop3A_780, %parallel_loop3A_781] {strides = array<i32>} : memref<1x8x2048xf32, #tpu.memory_space<vmem>>, vector<16xf32>,
          tpu.vector_store %parallel_loop3A_778[%parallel_loop3A_779, %parallel_loop3A_780, %parallel_loop3A_781], %parallel_loop3A_772 {strides = array<i32>} : memref<1x8x2048xf32, #tpu.memory_space<vmem>>, vector<16xf32>,
        } {sc.loop_unroll_factor = 8 : i64, sc.parallel_access}
        %ne3A_386 = arith.cmpi ne, %add3A_256, %add3A_306 : i32
        %ne3A_387 = arith.cmpi ne, %add3A_257, %add3A_307 : i32
        %or3A_388 = arith.constant false
        %or3A_389 = arith.ori %or3A_388, %ne3A_386 : i1
        %or3A_390 = arith.ori %or3A_389, %ne3A_387 : i1
        %or3A_391 = arith.constant false
        %or3A_392 = arith.ori %or3A_390, %or3A_391 : i1
        %or3A_393 = arith.ori %or3A_392, %eq3A_254 : i1
        %convert_element_type3A_394 = arith.extui %or3A_393 : i1 to i32
        %cond3A_395 = arith.constant 0 : i32
        %cond3A_396 = arith.cmpi ne, %convert_element_type3A_394, %cond3A_395 : i32
        scf.if %cond3A_396 {
        } else {
        }
        %and3A_397 = arith.constant false
        %and3A_398 = arith.andi %or3A_393, %and3A_397 : i1
        %ne3A_399 = arith.cmpi ne, %add3A_256, %add3A_306 : i32
        %ne3A_400 = arith.cmpi ne, %add3A_257, %add3A_307 : i32
        %or3A_401 = arith.constant false
        %or3A_402 = arith.ori %or3A_401, %ne3A_399 : i1
        %or3A_403 = arith.ori %or3A_402, %ne3A_400 : i1
        %or3A_404 = arith.constant false
        %or3A_405 = arith.ori %or3A_403, %or3A_404 : i1
        %or3A_406 = arith.ori %or3A_405, %eq3A_254 : i1
        %convert_element_type3A_407 = arith.extui %or3A_406 : i1 to i32
        %cond3A_408 = arith.constant 0 : i32
        %cond3A_409 = arith.cmpi ne, %convert_element_type3A_407, %cond3A_408 : i32
        scf.if %cond3A_409 {
          %rem3A_482 = arith.constant 2 : i32
          %rem3A_483 = arith.remui %scan3A_246, %rem3A_482 : i32
          %mul3A_484 = arith.constant 1 : i32
          %mul3A_485 = arith.muli %mul3A_484, %add3A_256 : i32
          %mul3A_486 = arith.constant 8 : i32
          %mul3A_487 = arith.muli %mul3A_486, %add3A_257 : i32
          %dma_start3A_488 = arith.constant 0 : i32
          %dma_start3A_489 = arith.constant 0 : i32
          %dma_start3A_490 = arith.constant 0 : i32
          %dma_start3A_491 = tpu.memref_slice %run_scoped3A_8[%rem3A_483, %dma_start3A_488, %dma_start3A_489, %dma_start3A_490] : memref<2x1x8x2048xf32, #tpu.memory_space<vmem>> -> memref<1x1x8x2048xf32, #tpu.memory_space<vmem>>
          %dma_start3A_492 = tpu.memref_squeeze %dma_start3A_491 : memref<1x1x8x2048xf32, #tpu.memory_space<vmem>> -> memref<1x8x2048xf32, #tpu.memory_space<vmem>>
          %dma_start3A_493 = arith.constant 0 : i32
          %dma_start3A_494 = tpu.memref_slice %arg4[%mul3A_485, %mul3A_487, %dma_start3A_493] : memref<2x8192x2048xf32, #tpu.memory_space<hbm>> -> memref<1x8x2048xf32, #tpu.memory_space<hbm>>
          %dma_start3A_495 = tpu.memref_slice %run_scoped3A_9[%rem3A_483] : memref<2x!tpu.dma_semaphore, #tpu.memory_space<semaphore_mem>> -> memref<1x!tpu.dma_semaphore, #tpu.memory_space<semaphore_mem>>
          %dma_start3A_496 = tpu.memref_squeeze %dma_start3A_495 : memref<1x!tpu.dma_semaphore, #tpu.memory_space<semaphore_mem>> -> memref<!tpu.dma_semaphore, #tpu.memory_space<semaphore_mem>>
          %dma_start3A_497 = arith.constant 0 : i32
          %dma_start3A_498 = tpu.memref_slice %arg4[%mul3A_485, %mul3A_487, %dma_start3A_497] : memref<2x8192x2048xf32, #tpu.memory_space<hbm>> -> memref<1x8x2048xf32, #tpu.memory_space<hbm>>
          %dma_start3A_499 = arith.constant 0 : i32
          %dma_start3A_500 = arith.constant 0 : i32
          %dma_start3A_501 = arith.constant 0 : i32
          %dma_start3A_502 = tpu.memref_slice %run_scoped3A_8[%rem3A_483, %dma_start3A_499, %dma_start3A_500, %dma_start3A_501] : memref<2x1x8x2048xf32, #tpu.memory_space<vmem>> -> memref<1x1x8x2048xf32, #tpu.memory_space<vmem>>
          %dma_start3A_503 = tpu.memref_squeeze %dma_start3A_502 : memref<1x1x8x2048xf32, #tpu.memory_space<vmem>> -> memref<1x8x2048xf32, #tpu.memory_space<vmem>>
          tpu.enqueue_dma source(%dma_start3A_503 : memref<1x8x2048xf32, #tpu.memory_space<vmem>>) target(%dma_start3A_498 : memref<1x8x2048xf32, #tpu.memory_space<hbm>>) target_semaphore(%dma_start3A_496 : memref<!tpu.dma_semaphore, #tpu.memory_space<semaphore_mem>>)
        } else {
        }
        %and3A_410 = arith.constant true
        %and3A_411 = arith.andi %or3A_406, %and3A_410 : i1
        %add3A_412 = arith.constant 1 : i32
        %add3A_413 = arith.addi %scan3A_246, %add3A_412 : i32
        %select_n3A_414 = arith.select %and3A_411, %add3A_413, %scan3A_246 : i32
        %ne3A_415 = arith.cmpi ne, %add3A_256, %add3A_281 : i32
        %ne3A_416 = arith.cmpi ne, %add3A_257, %add3A_282 : i32
        %or3A_417 = arith.constant false
        %or3A_418 = arith.ori %or3A_417, %ne3A_415 : i1
        %or3A_419 = arith.ori %or3A_418, %ne3A_416 : i1
        %or3A_420 = arith.constant false
        %or3A_421 = arith.ori %or3A_419, %or3A_420 : i1
        %not3A_422 = arith.constant true
        %not3A_423 = arith.xori %eq3A_252, %not3A_422 : i1
        %and3A_424 = arith.andi %or3A_421, %not3A_423 : i1
        %convert_element_type3A_425 = arith.extui %and3A_424 : i1 to i32
        %cond3A_426 = arith.constant 0 : i32
        %cond3A_427 = arith.cmpi ne, %convert_element_type3A_425, %cond3A_426 : i32
        scf.if %cond3A_427 {
        } else {
        }
        %and3A_428 = arith.constant false
        %and3A_429 = arith.andi %and3A_424, %and3A_428 : i1
        %ne3A_430 = arith.cmpi ne, %add3A_256, %add3A_281 : i32
        %ne3A_431 = arith.cmpi ne, %add3A_257, %add3A_282 : i32
        %or3A_432 = arith.constant false
        %or3A_433 = arith.ori %or3A_432, %ne3A_430 : i1
        %or3A_434 = arith.ori %or3A_433, %ne3A_431 : i1
        %or3A_435 = arith.constant false
        %or3A_436 = arith.ori %or3A_434, %or3A_435 : i1
        %not3A_437 = arith.constant true
        %not3A_438 = arith.xori %eq3A_252, %not3A_437 : i1
        %and3A_439 = arith.andi %or3A_436, %not3A_438 : i1
        %convert_element_type3A_440 = arith.extui %and3A_439 : i1 to i32
        %cond3A_441 = arith.constant 0 : i32
        %cond3A_442 = arith.cmpi ne, %convert_element_type3A_440, %cond3A_441 : i32
        scf.if %cond3A_442 {
          %rem3A_482 = arith.constant 2 : i32
          %rem3A_483 = arith.remui %scan3A_247, %rem3A_482 : i32
          %mul3A_484 = arith.constant 1 : i32
          %mul3A_485 = arith.muli %mul3A_484, %add3A_281 : i32
          %mul3A_486 = arith.constant 8 : i32
          %mul3A_487 = arith.muli %mul3A_486, %add3A_282 : i32
          %dma_wait3A_488 = arith.constant 0 : i32
          %dma_wait3A_489 = arith.constant 0 : i32
          %dma_wait3A_490 = arith.constant 0 : i32
          %dma_wait3A_491 = tpu.memref_slice %run_scoped3A_8[%rem3A_483, %dma_wait3A_488, %dma_wait3A_489, %dma_wait3A_490] : memref<2x1x8x2048xf32, #tpu.memory_space<vmem>> -> memref<1x1x8x2048xf32, #tpu.memory_space<vmem>>
          %dma_wait3A_492 = tpu.memref_squeeze %dma_wait3A_491 : memref<1x1x8x2048xf32, #tpu.memory_space<vmem>> -> memref<1x8x2048xf32, #tpu.memory_space<vmem>>
          %dma_wait3A_493 = arith.constant 0 : i32
          %dma_wait3A_494 = tpu.memref_slice %arg4[%mul3A_485, %mul3A_487, %dma_wait3A_493] : memref<2x8192x2048xf32, #tpu.memory_space<hbm>> -> memref<1x8x2048xf32, #tpu.memory_space<hbm>>
          %dma_wait3A_495 = tpu.memref_slice %run_scoped3A_9[%rem3A_483] : memref<2x!tpu.dma_semaphore, #tpu.memory_space<semaphore_mem>> -> memref<1x!tpu.dma_semaphore, #tpu.memory_space<semaphore_mem>>
          %dma_wait3A_496 = tpu.memref_squeeze %dma_wait3A_495 : memref<1x!tpu.dma_semaphore, #tpu.memory_space<semaphore_mem>> -> memref<!tpu.dma_semaphore, #tpu.memory_space<semaphore_mem>>
          %dma_wait3A_497 = arith.constant 0 : i32
          %dma_wait3A_498 = tpu.memref_slice %arg4[%mul3A_485, %mul3A_487, %dma_wait3A_497] : memref<2x8192x2048xf32, #tpu.memory_space<hbm>> -> memref<1x8x2048xf32, #tpu.memory_space<hbm>>
          %dma_wait3A_499 = arith.constant 0 : i32
          %dma_wait3A_500 = arith.constant 0 : i32
          %dma_wait3A_501 = arith.constant 0 : i32
          %dma_wait3A_502 = tpu.memref_slice %run_scoped3A_8[%rem3A_483, %dma_wait3A_499, %dma_wait3A_500, %dma_wait3A_501] : memref<2x1x8x2048xf32, #tpu.memory_space<vmem>> -> memref<1x1x8x2048xf32, #tpu.memory_space<vmem>>
          %dma_wait3A_503 = tpu.memref_squeeze %dma_wait3A_502 : memref<1x1x8x2048xf32, #tpu.memory_space<vmem>> -> memref<1x8x2048xf32, #tpu.memory_space<vmem>>
          tpu.wait_dma2 semaphore(%dma_wait3A_496 : memref<!tpu.dma_semaphore, #tpu.memory_space<semaphore_mem>>) src(%dma_wait3A_503 : memref<1x8x2048xf32, #tpu.memory_space<vmem>>) dst(%dma_wait3A_498 : memref<1x8x2048xf32, #tpu.memory_space<hbm>>)
        } else {
        }
        %and3A_443 = arith.constant true
        %and3A_444 = arith.andi %and3A_439, %and3A_443 : i1
        %add3A_445 = arith.constant 1 : i32
        %add3A_446 = arith.addi %scan3A_247, %add3A_445 : i32
        %select_n3A_447 = arith.select %and3A_444, %add3A_446, %scan3A_247 : i32
        %ne3A_448 = arith.cmpi ne, %add3A_256, %add3A_306 : i32
        %ne3A_449 = arith.cmpi ne, %add3A_257, %add3A_307 : i32
        %or3A_450 = arith.constant false
        %or3A_451 = arith.ori %or3A_450, %ne3A_448 : i1
        %or3A_452 = arith.ori %or3A_451, %ne3A_449 : i1
        %or3A_453 = arith.constant false
        %or3A_454 = arith.ori %or3A_452, %or3A_453 : i1
        %or3A_455 = arith.ori %or3A_454, %eq3A_254 : i1
        %add3A_456 = arith.constant 1 : i32
        %add3A_457 = arith.addi %scan3A_245, %add3A_456 : i32
        %select_n3A_458 = arith.select %or3A_455, %add3A_457, %scan3A_245 : i32
        %select_n3A_459 = arith.constant true
        %select_n3A_460 = arith.constant 0 : i32
        %select_n3A_461 = arith.constant 1 : i32
        %select_n3A_462 = arith.select %select_n3A_459, %select_n3A_461, %select_n3A_460 : i32
        %eq3A_463 = arith.constant 1 : i32
        %eq3A_464 = arith.cmpi eq, %select_n3A_462, %eq3A_463 : i32
        %select_n3A_465 = arith.constant 0 : i32
        %select_n3A_466 = arith.select %eq3A_464, %select_n3A_465, %select_n3A_462 : i32
        %add3A_467 = arith.constant 1 : i32
        %add3A_468 = arith.addi %scan3A_249, %add3A_467 : i32
        %select_n3A_469 = arith.select %eq3A_464, %add3A_468, %scan3A_249 : i32
        %eq3A_470 = arith.constant 32 : i32
        %eq3A_471 = arith.cmpi eq, %select_n3A_469, %eq3A_470 : i32
        %select_n3A_472 = arith.constant 0 : i32
        %select_n3A_473 = arith.select %eq3A_471, %select_n3A_472, %select_n3A_469 : i32
        %add3A_474 = arith.constant 1 : i32
        %add3A_475 = arith.addi %scan3A_248, %add3A_474 : i32
        %select_n3A_476 = arith.select %eq3A_471, %add3A_475, %scan3A_248 : i32
        %eq3A_477 = arith.constant 2 : i32
        %eq3A_478 = arith.cmpi eq, %select_n3A_476, %eq3A_477 : i32
        %select_n3A_479 = arith.constant 0 : i32
        %select_n3A_480 = arith.select %eq3A_478, %select_n3A_479, %select_n3A_476 : i32
        %scan3A_481 = arith.constant 0 : i32
        scf.yield %select_n3A_345, %select_n3A_458, %select_n3A_414, %select_n3A_447, %select_n3A_480, %select_n3A_473, %scan3A_481 : i32, i32, i32, i32, i32, i32, i32
      }
      %scan3A_122 = arith.constant 64 : i32
      %sub3A = arith.constant 1 : i32
      %sub3A_123 = arith.subi %scan3A_121#6, %sub3A : i32
      %select_n3A_124 = arith.constant true
      %select_n3A_125 = arith.select %select_n3A_124, %sub3A_123, %scan3A_121#6 : i32
      %eq3A_126 = arith.constant -1 : i32
      %eq3A_127 = arith.cmpi eq, %select_n3A_125, %eq3A_126 : i32
      %select_n3A_128 = arith.constant 0 : i32
      %select_n3A_129 = arith.select %eq3A_127, %select_n3A_128, %select_n3A_125 : i32
      %sub3A_130 = arith.constant 1 : i32
      %sub3A_131 = arith.subi %scan3A_121#5, %sub3A_130 : i32
      %select_n3A_132 = arith.select %eq3A_127, %sub3A_131, %scan3A_121#5 : i32
      %eq3A_133 = arith.constant -1 : i32
      %eq3A_134 = arith.cmpi eq, %select_n3A_132, %eq3A_133 : i32
      %select_n3A_135 = arith.constant 31 : i32
      %select_n3A_136 = arith.select %eq3A_134, %select_n3A_135, %select_n3A_132 : i32
      %sub3A_137 = arith.constant 1 : i32
      %sub3A_138 = arith.subi %scan3A_121#4, %sub3A_137 : i32
      %select_n3A_139 = arith.select %eq3A_134, %sub3A_138, %scan3A_121#4 : i32
      %eq3A_140 = arith.constant -1 : i32
      %eq3A_141 = arith.cmpi eq, %select_n3A_139, %eq3A_140 : i32
      %select_n3A_142 = arith.constant 1 : i32
      %select_n3A_143 = arith.select %eq3A_141, %select_n3A_142, %select_n3A_139 : i32
      %add3A_144 = arith.constant 0 : i32
      %add3A_145 = arith.addi %select_n3A_143, %add3A_144 : i32
      %add3A_146 = arith.addi %select_n3A_136, %mul3A_6 : i32
      %select_n3A_147 = arith.constant true
      %select_n3A_148 = arith.constant 0 : i32
      %select_n3A_149 = arith.constant -1 : i32
      %select_n3A_150 = arith.select %select_n3A_147, %select_n3A_149, %select_n3A_148 : i32
      %eq3A_151 = arith.constant -1 : i32
      %eq3A_152 = arith.cmpi eq, %select_n3A_150, %eq3A_151 : i32
      %select_n3A_153 = arith.constant 0 : i32
      %select_n3A_154 = arith.select %eq3A_152, %select_n3A_153, %select_n3A_150 : i32
      %sub3A_155 = arith.constant 1 : i32
      %sub3A_156 = arith.subi %select_n3A_136, %sub3A_155 : i32
      %select_n3A_157 = arith.select %eq3A_152, %sub3A_156, %select_n3A_136 : i32
      %eq3A_158 = arith.constant -1 : i32
      %eq3A_159 = arith.cmpi eq, %select_n3A_157, %eq3A_158 : i32
      %select_n3A_160 = arith.constant 31 : i32
      %select_n3A_161 = arith.select %eq3A_159, %select_n3A_160, %select_n3A_157 : i32
      %sub3A_162 = arith.constant 1 : i32
      %sub3A_163 = arith.subi %select_n3A_143, %sub3A_162 : i32
      %select_n3A_164 = arith.select %eq3A_159, %sub3A_163, %select_n3A_143 : i32
      %eq3A_165 = arith.constant -1 : i32
      %eq3A_166 = arith.cmpi eq, %select_n3A_164, %eq3A_165 : i32
      %select_n3A_167 = arith.constant 1 : i32
      %select_n3A_168 = arith.select %eq3A_166, %select_n3A_167, %select_n3A_164 : i32
      %add3A_169 = arith.constant 0 : i32
      %add3A_170 = arith.addi %select_n3A_168, %add3A_169 : i32
      %add3A_171 = arith.addi %select_n3A_161, %mul3A_6 : i32
      %select_n3A_172 = arith.constant true
      %select_n3A_173 = arith.constant 0 : i32
      %select_n3A_174 = arith.constant 1 : i32
      %select_n3A_175 = arith.select %select_n3A_172, %select_n3A_174, %select_n3A_173 : i32
      %eq3A_176 = arith.constant 1 : i32
      %eq3A_177 = arith.cmpi eq, %select_n3A_175, %eq3A_176 : i32
      %select_n3A_178 = arith.constant 0 : i32
      %select_n3A_179 = arith.select %eq3A_177, %select_n3A_178, %select_n3A_175 : i32
      %add3A_180 = arith.constant 1 : i32
      %add3A_181 = arith.addi %select_n3A_136, %add3A_180 : i32
      %select_n3A_182 = arith.select %eq3A_177, %add3A_181, %select_n3A_136 : i32
      %eq3A_183 = arith.constant 32 : i32
      %eq3A_184 = arith.cmpi eq, %select_n3A_182, %eq3A_183 : i32
      %select_n3A_185 = arith.constant 0 : i32
      %select_n3A_186 = arith.select %eq3A_184, %select_n3A_185, %select_n3A_182 : i32
      %add3A_187 = arith.constant 1 : i32
      %add3A_188 = arith.addi %select_n3A_143, %add3A_187 : i32
      %select_n3A_189 = arith.select %eq3A_184, %add3A_188, %select_n3A_143 : i32
      %eq3A_190 = arith.constant 2 : i32
      %eq3A_191 = arith.cmpi eq, %select_n3A_189, %eq3A_190 : i32
      %select_n3A_192 = arith.constant 0 : i32
      %select_n3A_193 = arith.select %eq3A_191, %select_n3A_192, %select_n3A_189 : i32
      %add3A_194 = arith.constant 0 : i32
      %add3A_195 = arith.addi %select_n3A_193, %add3A_194 : i32
      %add3A_196 = arith.addi %select_n3A_186, %mul3A_6 : i32
      %select_n3A_197 = arith.constant true
      %select_n3A_198 = arith.constant 0 : i32
      %select_n3A_199 = arith.constant 1 : i32
      %select_n3A_200 = arith.select %select_n3A_197, %select_n3A_199, %select_n3A_198 : i32
      %eq3A_201 = arith.constant 1 : i32
      %eq3A_202 = arith.cmpi eq, %select_n3A_200, %eq3A_201 : i32
      %select_n3A_203 = arith.constant 0 : i32
      %select_n3A_204 = arith.select %eq3A_202, %select_n3A_203, %select_n3A_200 : i32
      %add3A_205 = arith.constant 1 : i32
      %add3A_206 = arith.addi %select_n3A_186, %add3A_205 : i32
      %select_n3A_207 = arith.select %eq3A_202, %add3A_206, %select_n3A_186 : i32
      %eq3A_208 = arith.constant 32 : i32
      %eq3A_209 = arith.cmpi eq, %select_n3A_207, %eq3A_208 : i32
      %select_n3A_210 = arith.constant 0 : i32
      %select_n3A_211 = arith.select %eq3A_209, %select_n3A_210, %select_n3A_207 : i32
      %add3A_212 = arith.constant 1 : i32
      %add3A_213 = arith.addi %select_n3A_193, %add3A_212 : i32
      %select_n3A_214 = arith.select %eq3A_209, %add3A_213, %select_n3A_193 : i32
      %eq3A_215 = arith.constant 2 : i32
      %eq3A_216 = arith.cmpi eq, %select_n3A_214, %eq3A_215 : i32
      %select_n3A_217 = arith.constant 0 : i32
      %select_n3A_218 = arith.select %eq3A_216, %select_n3A_217, %select_n3A_214 : i32
      %add3A_219 = arith.constant 0 : i32
      %add3A_220 = arith.addi %select_n3A_218, %add3A_219 : i32
      %add3A_221 = arith.addi %select_n3A_211, %mul3A_6 : i32
      %rem3A_222 = arith.constant 2 : i32
      %rem3A_223 = arith.remui %scan3A_121#3, %rem3A_222 : i32
      %mul3A_224 = arith.constant 1 : i32
      %mul3A_225 = arith.muli %mul3A_224, %add3A_145 : i32
      %mul3A_226 = arith.constant 8 : i32
      %mul3A_227 = arith.muli %mul3A_226, %add3A_146 : i32
      %dma_wait3A = arith.constant 0 : i32
      %dma_wait3A_228 = arith.constant 0 : i32
      %dma_wait3A_229 = arith.constant 0 : i32
      %dma_wait3A_230 = tpu.memref_slice %run_scoped3A_8[%rem3A_223, %dma_wait3A, %dma_wait3A_228, %dma_wait3A_229] : memref<2x1x8x2048xf32, #tpu.memory_space<vmem>> -> memref<1x1x8x2048xf32, #tpu.memory_space<vmem>>
      %dma_wait3A_231 = tpu.memref_squeeze %dma_wait3A_230 : memref<1x1x8x2048xf32, #tpu.memory_space<vmem>> -> memref<1x8x2048xf32, #tpu.memory_space<vmem>>
      %dma_wait3A_232 = arith.constant 0 : i32
      %dma_wait3A_233 = tpu.memref_slice %arg4[%mul3A_225, %mul3A_227, %dma_wait3A_232] : memref<2x8192x2048xf32, #tpu.memory_space<hbm>> -> memref<1x8x2048xf32, #tpu.memory_space<hbm>>
      %dma_wait3A_234 = tpu.memref_slice %run_scoped3A_9[%rem3A_223] : memref<2x!tpu.dma_semaphore, #tpu.memory_space<semaphore_mem>> -> memref<1x!tpu.dma_semaphore, #tpu.memory_space<semaphore_mem>>
      %dma_wait3A_235 = tpu.memref_squeeze %dma_wait3A_234 : memref<1x!tpu.dma_semaphore, #tpu.memory_space<semaphore_mem>> -> memref<!tpu.dma_semaphore, #tpu.memory_space<semaphore_mem>>
      %dma_wait3A_236 = arith.constant 0 : i32
      %dma_wait3A_237 = tpu.memref_slice %arg4[%mul3A_225, %mul3A_227, %dma_wait3A_236] : memref<2x8192x2048xf32, #tpu.memory_space<hbm>> -> memref<1x8x2048xf32, #tpu.memory_space<hbm>>
      %dma_wait3A_238 = arith.constant 0 : i32
      %dma_wait3A_239 = arith.constant 0 : i32
      %dma_wait3A_240 = arith.constant 0 : i32
      %dma_wait3A_241 = tpu.memref_slice %run_scoped3A_8[%rem3A_223, %dma_wait3A_238, %dma_wait3A_239, %dma_wait3A_240] : memref<2x1x8x2048xf32, #tpu.memory_space<vmem>> -> memref<1x1x8x2048xf32, #tpu.memory_space<vmem>>
      %dma_wait3A_242 = tpu.memref_squeeze %dma_wait3A_241 : memref<1x1x8x2048xf32, #tpu.memory_space<vmem>> -> memref<1x8x2048xf32, #tpu.memory_space<vmem>>
      tpu.wait_dma2 semaphore(%dma_wait3A_235 : memref<!tpu.dma_semaphore, #tpu.memory_space<semaphore_mem>>) src(%dma_wait3A_242 : memref<1x8x2048xf32, #tpu.memory_space<vmem>>) dst(%dma_wait3A_237 : memref<1x8x2048xf32, #tpu.memory_space<hbm>>)
      tpu.yield
    }) : () -> ()
    return
  }
}

</mosaic_0001>

<sc_bundles>
// kernel: kernel.3.cloned.1.call-start
scs
__scs_entry_jumppad:
0x0: {  	(pc) =	sbr.rel $0x88, $3  }
0x1: {  	(tag) =	ssettag $0x0;
	lr =	simm.s32 $0x1  }
0x2: {  	[smem:$0x3F9F] =	sst lr;
	_ =	strace $0xD0000000  }
0x3: {  	_ = 	snop  }
0x4: {  	_ = 	snop  }
0x5: {  	_ = 	snop  }
0x6: {  	_ = 	snop  }
0x7: {  	_ = 	snop  }
__scs_overlays_trampoline_lowered:
0x8: {  	[smem:$0x3FAE] =	sst s0  }
0x9: {  	[smem:$0x3FAF] =	sst s1  }
0xa: {  	[smem:$0x3FB0] =	sst s2  }
0xb: {  	[smem:$0x3FB1] =	sst s3  }
0xc: {  	[smem:$0x3FB2] =	sst s4  }
0xd: {  	[smem:$0x3FB3] =	sst s5  }
0xe: {  	[smem:$0x3FB4] =	sst s6  }
0xf: {  	[smem:$0x3FB5] =	sst s7  }
0x10: {  	[smem:$0x3FB6] =	sst s8  }
0x11: {  	[smem:$0x3FB7] =	sst s9;
	s0 =	simm.s32 @!p0 $0x0  }
0x12: {  	s1 =	sld [smem:$0x3F9D];
	s0 =	simm.s32 @p0 $0x1  }
0x13: {  	[smem:$0x3FB8] =	sst s0;
	s0 =	simm.s32 @!p1 $0x0  }
0x14: {  	s2 =	sld [smem:$0x3F9C];
	s0 =	simm.s32 @p1 $0x1  }
0x15: {  	[smem:$0x3FB9] =	sst s0;
	s0 =	simm.s32 @!p2 $0x0  }
0x16: {  	s3 =	sld [smem:$0x3FDB];
	s0 =	simm.s32 @p2 $0x1  }
0x17: {  	s4 =	simm.s32 $0x1BF5;
	[smem:$0x3FBB] =	sst s0  }
0x18: {  	s0 =	sld [smem:$0x3F9E];
	_ =	swait.ge [sflag:s4], $0x0  }
0x19: {  	s7 =	sld [smem:$0x3F9F]  }
0x1a: {  	s8 =	sadd.s32 $0xFFFFE003, lr  }
0x1b: {  	s9 =	sadd.s32 $0xFFFFFEF7, lr;
	s5 =	simm.s32 $0xFFFFFFFF;
	p2 =	slt.u32 s8, $0xFFFFF086  }
0x1c: {  	p1 =	slt.u32 s9, $0xF7A;
	s5 =	simm.s32 @!p2 $0x0  }
0x1d: {  	s5 =	simm.s32 @p1 $0x1;
	p0 =	seq.s32 s7, s2  }
0x1e: {  	s7 =	smul.u32 @!p0 $0xF7A, s2;
	p2 =	seq.s32 @!p0 s5, $0x0  }
0x1f: {  	s9 =	smul.u32 $0xF7A, s1;
	s8 =	simm.s32 @!p0 $0x1BF5;
	p2 =	por !p2, p0  }
0x20: {  	[sflag:s8] =	ssyncset.s32 @!p0 $0xFFFFF086;
	s6 =	sadd.s32 @!p0 s3, s7;
	s7 =	simm.s32 @!p0 $0x108  }
0x21: {  	s3 =	sadd.s32 s3, s9;
	s6 =	sadd.s32 @!p0 $0x88, s6;
	s7 =	simm.s32 @p2 $0x1082  }
0x22: {  	[simem:s7], [sflag:s8] =	dma.local @!p0 [hbm:s6], $0xF7A  }
0x23: {  	s9 =	sor.u32 $0xD0000000, s2;
	s6 =	simm.s32 $0x108;
	_ =	swait.ge @!p0 [sflag:s8], $0x0  }
0x24: {  	s3 =	sadd.s32 $0x88, s3;
	s6 =	simm.s32 @!p1 $0x1082;
	[sflag:s4] =	ssyncset.s32 $0xFFFFF086  }
0x25: {  	[simem:s6], [sflag:s4] =	dma.local [hbm:s3], $0xF7A  }
0x26: {  	[smem:$0x3F9F] =	sst s1;
	(tag) =	ssettag s2;
	_ =	strace s9  }
0x27: {  	s1 =	sld [smem:$0x3FAF]  }
0x28: {  	s2 =	sld [smem:$0x3FB0]  }
0x29: {  	s4 =	sld [smem:$0x3FB2]  }
0x2a: {  	p0 =	seq.s32 s5, $0x0;
	s5 =	sld [smem:$0x3FB3]  }
0x2b: {  	s6 =	sld [smem:$0x3FB4]  }
0x2c: {  	s7 =	sld [smem:$0x3FB5]  }
0x2d: {  	s3 =	simm.s32 $0x108;
	s8 =	sld [smem:$0x3FB6]  }
0x2e: {  	s3 =	simm.s32 @!p0 $0x1082;
	s9 =	sld [smem:$0x3FB7]  }
0x2f: {  	lr =	sadd.s32 s0, s3;
	s0 =	sld [smem:$0x3FAE]  }
0x30: {  	s3 =	sld [smem:$0x3FB1]  }
0x31: {  	[smem:$0x3FBA] =	sst s10  }
0x32: {  	s10 =	sld [smem:$0x3FB8];
	_ =	sdelay $0x3  }
0x33: {  	p0 =	seq.s32 s10, $0x1;
	s10 =	sld [smem:$0x3FBA];
	_ =	sdelay $0x3  }
0x34: {  	[smem:$0x3FBA] =	sst s10  }
0x35: {  	s10 =	sld [smem:$0x3FB9];
	_ =	sdelay $0x3  }
0x36: {  	p1 =	seq.s32 s10, $0x1;
	s10 =	sld [smem:$0x3FBA];
	_ =	sdelay $0x3  }
0x37: {  	[smem:$0x3FBA] =	sst s10  }
0x38: {  	s10 =	sld [smem:$0x3FBB]  }
0x39: {  	_ = 	snop;
	(pc) =	sbr.ind lr, $3  }
0x3a: {  	_ = 	snop  }
0x3b: {  	_ = 	snop  }
0x3c: {  	p2 =	seq.s32 s10, $0x1;
	s10 =	sld [smem:$0x3FBA]  }
0x3d: {  	_ =	shalt  }
0x3e: {  	_ =	shalt  }
0x3f: {  	_ =	shalt  }
0x40: {  	_ =	shalt  }
0x41: {  	_ =	shalt  }
0x42: {  	_ =	shalt  }
0x43: {  	_ =	shalt  }
0x44: {  	_ =	shalt  }
0x45: {  	_ =	shalt  }
0x46: {  	_ =	shalt  }
0x47: {  	_ =	shalt  }
0x48: {  	_ =	shalt  }
0x49: {  	_ =	shalt  }
0x4a: {  	_ =	shalt  }
0x4b: {  	_ =	shalt  }
0x4c: {  	_ =	shalt  }
0x4d: {  	_ =	shalt  }
0x4e: {  	_ =	shalt  }
0x4f: {  	_ =	shalt  }
0x50: {  	_ =	shalt  }
0x51: {  	_ =	shalt  }
0x52: {  	_ =	shalt  }
0x53: {  	_ =	shalt  }
0x54: {  	_ =	shalt  }
0x55: {  	_ =	shalt  }
0x56: {  	_ =	shalt  }
0x57: {  	_ =	shalt  }
0x58: {  	_ =	shalt  }
0x59: {  	_ =	shalt  }
0x5a: {  	_ =	shalt  }
0x5b: {  	_ =	shalt  }
0x5c: {  	_ =	shalt  }
0x5d: {  	_ =	shalt  }
0x5e: {  	_ =	shalt  }
0x5f: {  	_ =	shalt  }
0x60: {  	_ =	shalt  }
0x61: {  	_ =	shalt  }
0x62: {  	_ =	shalt  }
0x63: {  	_ =	shalt  }
0x64: {  	_ =	shalt  }
0x65: {  	_ =	shalt  }
0x66: {  	_ =	shalt  }
0x67: {  	_ =	shalt  }
0x68: {  	_ =	shalt  }
0x69: {  	_ =	shalt  }
0x6a: {  	_ =	shalt  }
0x6b: {  	_ =	shalt  }
0x6c: {  	_ =	shalt  }
0x6d: {  	_ =	shalt  }
0x6e: {  	_ =	shalt  }
0x6f: {  	_ =	shalt  }
0x70: {  	_ =	shalt  }
0x71: {  	_ =	shalt  }
0x72: {  	_ =	shalt  }
0x73: {  	_ =	shalt  }
0x74: {  	_ =	shalt  }
0x75: {  	_ =	shalt  }
0x76: {  	_ =	shalt  }
0x77: {  	_ =	shalt  }
0x78: {  	_ =	shalt  }
0x79: {  	_ =	shalt  }
0x7a: {  	_ =	shalt  }
0x7b: {  	_ =	shalt  }
0x7c: {  	_ =	shalt  }
0x7d: {  	_ =	shalt  }
0x7e: {  	_ =	shalt  }
0x7f: {  	_ =	shalt  }
0x80: {  	_ =	shalt  }
0x81: {  	_ =	shalt  }
0x82: {  	_ =	shalt  }
0x83: {  	_ =	shalt  }
0x84: {  	_ =	shalt  }
0x85: {  	_ =	shalt  }
0x86: {  	_ =	shalt  }
0x87: {  	_ =	shalt  }
.Lfunc_end0:
.L_simem_size_0:
called_computation_lowered:
.L_overlay_start_0:
0x88: {  	s2 =	sld [smem:$0x3FD9]  }
0x89: {  	s3 =	sld [smem:$0x3FFE];
	_ =	sdelay $0x1  }
0x8a: {  	s1 =	srdreg.scid  }
0x8b: {  	s0 =	sand.u32 $0x1, s1  }
0x8c: {  	s17 =	sshll.u32 s0, $0xA;
	s2 =	sadd.s32 s3, s2  }
0x8d: {  	s2 =	sadd.s32 s2, s17  }
0x8e: {  	[smem:$0x3FC6] =	sst s2  }
0x8f: {  	_ = 	snop  }
0x90: {  	s2 =	sld [smem:$0x3FC9]  }
0x91: {  	s18 =	sld [smem:$0x3FD0];
	(tm) =	ssettm $0x1  }
0x92: {  	s4 =	sld [smem:$0x3FFB];
	_ =	sdelay $0x3  }
0x93: {  	_ =	strace s4  }
0x94: {  	s4 =	sld [smem:$0x3FFC];
	_ =	sdelay $0x3  }
0x95: {  	_ =	strace s4  }
0x96: {  	s4 =	sld [smem:$0x3FFD];
	_ =	sdelay $0x3  }
0x97: {  	_ =	strace s4  }
0x98: {  	_ =	strace $0x8FFFFFFF  }
0x99: {  	s19 =	sld [smem:$0x3FDB];
	_ =	sdelay $0x1  }
0x9a: {  	s5 =	simm.s32 $_scs_section_size  }
0x9b: {  	s6 =	simm.s32 $_size__tile_overlayer_lowered;
	s7 =	simm.s32 $_tile_overlayer_lowered  }
0x9c: {  	s22 =	simm.s32 $0x1BFF;
	s21 =	sshll.u32 s7, $0x1;
	s4 =	sadd.s32 s5, s19  }
0x9d: {  	s8 =	simm.s32 $0x0;
	s20 =	sshll.u32 s6, $0x1;
	s6 =	sadd.s32 s21, s4  }
0x9e: {  	[timem:s8], [sflag:s22] =	dma.local [hbm:s6], s20  }
0x9f: {  	_ =	swait.ge [sflag:s22], s20  }
0xa0: {  	s5 =	ssub.s32 $0x0, s20;
	[sflag:s22] =	ssyncset.done $0x0  }
0xa1: {  	[sflag:s22] =	ssyncadd.s32 s5;
	_ =	sdelay $0x1  }
0xa2: {  	s23 =	simm.s32 $0x1B8B  }
0xa3: {  	_ =	swait.ge [sflag:s23], $0x1  }
0xa4: {  	[sflag:s23] =	ssyncset.done $0x0  }
0xa5: {  	s25 =	simm.s32 $0x1B8E;
	s24 =	sld [smem:$0x3FFE];
	[sflag:s23] =	ssyncadd.s32 $0xFFFFFFFF  }
0xa6: {  	s26 =	simm.s32 $execute0_lowered;
	[smem:$0x3FD2] =	sst s25  }
0xa7: {  	s6 =	sshll.u32 s26, $0x1;
	_ =	strace $0x80000046;
	[dreg:$0x1] =	wrdreg $0xFFFFFFFF  }
0xa8: {  	s28 =	simm.s32 $_size_execute0_lowered;
	s4 =	sadd.s32 s4, s6;
	[dreg:$0x0] =	wrdreg $0x0  }
0xa9: {  	s6 =	sshll.u32 s28, $0x1;
	[dreg:$0x2] =	wrdreg s4  }
0xaa: {  	[dreg:$0x3] =	wrdreg s6  }
0xab: {  	[dreg:$0x4] =	wrdreg $0xC0  }
0xac: {  	_ =	task [dreg:s8], $0x5FFFF  }
0xad: {  	[dreg:$0x1] =	wrdreg $0xFFFFFFFF  }
0xae: {  	[dreg:$0x0] =	wrdreg $0x60  }
0xaf: {  	[dreg:$0x2] =	wrdreg s2  }
0xb0: {  	[dreg:$0x3] =	wrdreg s24  }
0xb1: {  	[dreg:$0x4] =	wrdreg s18  }
0xb2: {  	[dreg:$0x5] =	wrdreg $0x9  }
0xb3: {  	_ =	task.clear_ibuf [dreg:s8], $0x6FFFF;
	_ =	strace $0x90000046  }
0xb4: {  	s29 =	simm.s32 $0x9;
	_ =	strace $0x80000048  }
0xb5: {  	_ =	swait.ge [sflag:s29], $0x1  }
0xb6: {  	[sflag:s29] =	ssyncadd.s32 $0xFFFFFFFF  }
0xb7: {  	_ =	strace $0x90000048  }
0xb8: {  	_ =	sfence  }
0xb9: {  	s30 =	sld [smem:$0x0];
	_ =	sdelay $0x2  }
0xba: {  	s31 =	sshll.u32 s1, $0xD;
	s1 =	sshrl.u32 s1, $0x2  }
0xbb: {  	s3 =	sand.u32 $0x4000, s31;
	s1 =	sadd.s32 s1, s30  }
0xbc: {  	s0 =	sor.u32 s3, s0;
	s1 =	sshll.u32 s1, $0x11  }
0xbd: {  	s0 =	sor.u32 s1, s0  }
0xbe: {  	s0 =	sadd.s32 $0x8F2B, s0  }
0xbf: {  	[sflag:s0] =	ssyncadd.remote.s32 $0x1  }
0xc0: {  	_ =	sfence.sel $0xFFFF  }
0xc1: {  	[dreg:$0x0] =	wrdreg $0xFFFFFFFF;
	(pc) =	sbr.abs _section_cstart, $3  }
0xc2: {  	[dreg:$0x1] =	wrdreg $0xFFFFFFFF  }
0xc3: {  	_ =	task.clear_ibuf [dreg:s8], $0x2FFFF;
	_ =	strace $0x9FFFFFFF  }
0xc4: {  	(tm) =	ssettm $0x7FFFFFFF  }
0xc5: {  	_ =	shalt  }
tec
execute0_lowered:
.L_overlay_start_1:
0x0: {  	(tag) =	ssettag $0x1  }
0x1: {  	s4 =	rddreg [dreg:$0x0]  }
0x2: {  	s0 =	rddreg [dreg:$0x1];
	s3 =	simm.s32 $0x0;
	s1 =	srdreg.scid  }
0x3: {  	s5 =	stileid.u32;
	[smem:$0x7FF] =	sst s3;
	s1 =	sand.u32 $0x1, s1  }
0x4: {  	s0 =	sadd.s32 $0x400, s0;
	s2 =	ssub.s32 $0x2, s1;
	s1 =	sshll.u32 s1, $0x4  }
0x5: {  	_ =	strace $0x80000047;
	[smem:$0x7FA] =	sst s0;
	s1 =	sor.u32 s5, s1  }
0x6: {  	s30 =	sshrl.u32 s2, $0x1;
	s31 =	sshll.u32 s1, $0x5;
	s1 =	sshll.u32 s1, $0x10  }
0x7: {  	s0 =	ssub.s32 s2, s30;
	[smem:$0x7FB] =	sst s31;
	s1 =	sadd.s32 s4, s1  }
0x8: {  	s0 =	smax.u32 s0, $0x1;
	[smem:$0x7FC] =	sst s1  }
0x9: {  	v0 =	vlaneseq.u32;
	s2 =	simm.s32 $0x0;
	[smem:$0x7FD] =	sst s0  }
.LBB2_1:
0xa: {  	s0 =	sld [smem:$0x7FA];
	_ =	sdelay $0x1  }
0xb: {  	[smem:$0x7F9] =	sst s2;
	s30 =	simm.s32 $0x1  }
0xc: {  	[tilespmem:s3], [sflag:$0x1] =	stream.linear.gather [hbm4b:s0+s3], $0x8000, $0x38;
	[tilespmem:$0x18000] =	vst v63  }
0xd: {  	s1 =	simm.s32 $0x8000;
	s9 =	simm.s32 $0x0;
	_ =	swait.ge [sflag:s30], $0x8000  }
0xe: {  	s2 =	simm.s32 $0x0;
	s6 =	simm.s32 $0x0;
	s31 =	sld [smem:$0x7FC]  }
0xf: {  	s7 =	simm.s32 $0x0;
	s4 =	simm.s32 $0x1;
	[sflag:s30] =	ssyncset.done $0x0  }
0x10: {  	s5 =	simm.s32 $0x0;
	s0 =	simm.s32 $0x0;
	[sflag:s30] =	ssyncadd.s32 $0xFFFF8000  }
0x11: {  	[tilespmem:s1], [sflag:$0x1] =	stream.linear.gather [hbm4b:s31+s3], $0x4000, $0x38;
	[tilespmem:$0x18000] =	vst v63  }
.LBB2_2:
0x12: {  	[smem:$0x7ED] =	sst s2;
	s2 =	sadd.s32 $0x1, s0  }
0x13: {  	s1 =	simm.s32 $0x1;
	p0 =	seq.s32 s2, $0x20  }
0x14: {  	s1 =	simm.s32 @!p0 $0x0  }
0x15: {  	s8 =	sadd.s32 s1, s9  }
0x16: {  	p1 =	seq.s32 s8, $0x2  }
0x17: {  	s2 =	simm.s32 @p0 $0x0;
	s8 =	simm.s32 @p1 $0x0  }
0x18: {  	p5 =	sne.s32 s0, s2;
	p4 =	sne.s32 s9, s8  }
0x19: {  	p6 =	sne.s32 s5, $0x3F;
	s29 =	sld [smem:$0x7FB];
	p1 =	por p5, p4  }
0x1a: {  	[smem:$0x7EF] =	sst s5;
	p0 =	por !p6, !p1  }
0x1b: {  	[smem:$0x7F2] =	sst s4;
	p0 =	por !p0, !p0  }
0x1c: {  	s5 =	rddreg [dreg:$0x0];
	s1 =	sadd.s32 @p0 s29, s2  }
0x1d: {  	[smem:$0x7F0] =	sst s2;
	s2 =	sshll.u32 @p0 s8, $0x18;
	s1 =	sshll.u32 @p0 s1, $0xE  }
0x1e: {  	s15 =	sshll.u32 s7, $0xE;
	s4 =	sand.u32 @p0 $0x1, s4;
	s1 =	sadd.s32 @p0 s1, s2  }
0x1f: {  	s2 =	sshll.u32 @p0 s4, $0xE;
	s4 =	sadd.s32 @p0 $0x1, s4;
	s1 =	sshrl.u32 @p0 s1, $0x3  }
0x20: {  	s2 =	sor.u32 @p0 $0x8000, s2;
	s1 =	sadd.s32 @p0 s5, s1;
	s5 =	simm.s32 @p0 $0x0  }
0x21: {  	[tilespmem:s2], [sflag:s4] =	stream.linear.gather @p0 [hbm4b:s1+s5], $0x4000, $0x38;
	[tilespmem:$0x18000] =	vst v63  }
0x22: {  	s1 =	sand.u32 $0x4000, s15  }
0x23: {  	[smem:$0x7EE] =	sst s9;
	s1 =	sor.u32 $0x8000, s1  }
0x24: {  	[smem:$0x7F3] =	sst s7;
	s16 =	sand.u32 $0x1, s7;
	v2 =	vmov s1  }
0x25: {  	s18 =	simm.s32 $0x0;
	s17 =	sadd.s32 $0x1, s16;
	[smem:$0x7F1] =	sst s8  }
0x26: {  	s19 =	sand.u32 $0x2000, s18;
	s2 =	sand.u32 $0x380, s18;
	_ =	swait.ge [sflag:s17], $0x4000  }
0x27: {  	s2 =	sor.u32 s2, s19;
	[sflag:s17] =	ssyncset.done $0x0  }
0x28: {  	s20 =	sor.u32 $0x1C00, s2;
	[sflag:s17] =	ssyncadd.s32 $0xFFFFC000  }
0x29: {  	v1 =	vld.idx.msk [tilespmem:v2+s20+$0x0 ss:$0x1], $0xffff;
	_ =	sdelay $0x4  }
0x2a: {  	v1 =	vmul.f32 $6.400000000e+01, v1;
	_ =	sdelay $0x1  }
0x2b: {  	v1 =	vadd.f32 $1.258291200e+07, v1;
	_ =	sdelay $0x1  }
0x2c: {  	v1 =	vshll.u32 v1, $0x4  }
0x2d: {  	v1 =	vor.u32 v0, v1  }
0x2e: {  	v3 =	vand.u32 $0x7FFF, v1  }
0x2f: {  	s21 =	sand.u32 $0x1, s6  }
0x30: {  	s4 =	sshll.u32 s21, $0xE;
	[smem:$0x7F4] =	sst s6  }
0x31: {  	s4 =	sor.u32 $0x10000, s4;
	[smem:$0x7F5] =	sst s21  }
0x32: {  	[smem:$0x7F6] =	sst s4  }
0x33: {  	v1 =	vmov s4;
	v3 =	vld.idx.msk [tilespmem:v3+s3+$0x0], $0xffff;
	_ =	sdelay $0x4  }
0x34: {  	s22 =	sor.u32 $0x1C10, s2;
	[tilespmem:v1+s20+$0x0 ss:$0x1] =	vst.idx.msk $0xffff, v3  }
0x35: {  	v3 =	vld.idx.msk [tilespmem:v2+s22+$0x0 ss:$0x1], $0xffff;
	_ =	sdelay $0x2  }
0x36: {  	s23 =	sor.u32 $0x400, s2  }
0x37: {  	s24 =	sor.u32 $0x800, s2;
	v4 =	vld.idx.msk [tilespmem:v2+s23+$0x0 ss:$0x1], $0xffff  }
0x38: {  	v5 =	vld.idx.msk [tilespmem:v2+s24+$0x0 ss:$0x1], $0xffff;
	v3 =	vmul.f32 $6.400000000e+01, v3  }
0x39: {  	s11 =	sor.u32 $0xC00, s2  }
0x3a: {  	s10 =	sor.u32 $0x1000, s2;
	v6 =	vld.idx.msk [tilespmem:v2+s11+$0x0 ss:$0x1], $0xffff;
	v3 =	vadd.f32 $1.258291200e+07, v3  }
0x3b: {  	v7 =	vld.idx.msk [tilespmem:v2+s10+$0x0 ss:$0x1], $0xffff  }
0x3c: {  	v4 =	vmul.f32 $6.400000000e+01, v4;
	v3 =	vshll.u32 v3, $0x4  }
0x3d: {  	v5 =	vmul.f32 $6.400000000e+01, v5;
	v3 =	vor.u32 v0, v3  }
0x3e: {  	v4 =	vadd.f32 $1.258291200e+07, v4;
	v3 =	vand.u32 $0x7FFF, v3  }
0x3f: {  	s25 =	sor.u32 $0x1400, s2;
	v6 =	vmul.f32 $6.400000000e+01, v6;
	v5 =	vadd.f32 $1.258291200e+07, v5  }
0x40: {  	v8 =	vld.idx.msk [tilespmem:v2+s25+$0x0 ss:$0x1], $0xffff;
	v7 =	vmul.f32 $6.400000000e+01, v7;
	v4 =	vshll.u32 v4, $0x4  }
0x41: {  	v6 =	vadd.f32 $1.258291200e+07, v6;
	v5 =	vshll.u32 v5, $0x4;
	v4 =	vor.u32 v0, v4  }
0x42: {  	v7 =	vadd.f32 $1.258291200e+07, v7;
	v5 =	vor.u32 v0, v5;
	v4 =	vand.u32 $0x7FFF, v4  }
0x43: {  	v6 =	vshll.u32 v6, $0x4;
	v5 =	vand.u32 $0x7FFF, v5;
	v3 =	vld.idx.msk [tilespmem:v3+s3+$0x0], $0xffff  }
0x44: {  	v7 =	vshll.u32 v7, $0x4;
	v6 =	vor.u32 v0, v6  }
0x45: {  	s28 =	sor.u32 $0x1800, s2;
	v8 =	vmul.f32 $6.400000000e+01, v8;
	v7 =	vor.u32 v0, v7;
	v6 =	vand.u32 $0x7FFF, v6  }
0x46: {  	v9 =	vld.idx.msk [tilespmem:v2+s28+$0x0 ss:$0x1], $0xffff;
	v7 =	vand.u32 $0x7FFF, v7  }
0x47: {  	v8 =	vadd.f32 $1.258291200e+07, v8;
	v4 =	vld.idx.msk [tilespmem:v4+s3+$0x0], $0xffff  }
0x48: {  	s26 =	sor.u32 $0x1C20, s2;
	v5 =	vld.idx.msk [tilespmem:v5+s3+$0x0], $0xffff;
	[tilespmem:v1+s22+$0x0 ss:$0x1] =	vst.idx.msk $0xffff, v3  }
0x49: {  	v3 =	vshll.u32 v8, $0x4;
	v8 =	vld.idx.msk [tilespmem:v2+s26+$0x0 ss:$0x1], $0xffff  }
0x4a: {  	v6 =	vld.idx.msk [tilespmem:v6+s3+$0x0], $0xffff  }
0x4b: {  	v7 =	vld.idx.msk [tilespmem:v7+s3+$0x0], $0xffff  }
0x4c: {  	v10 =	vld.idx.msk [tilespmem:v2+s2+$0x0 ss:$0x1], $0xffff;
	v3 =	vor.u32 v0, v3  }
0x4d: {  	s30 =	sor.u32 $0x410, s2;
	[tilespmem:v1+s23+$0x0 ss:$0x1] =	vst.idx.msk $0xffff, v4;
	v3 =	vand.u32 $0x7FFF, v3  }
0x4e: {  	v9 =	vmul.f32 $6.400000000e+01, v9;
	[tilespmem:v1+s24+$0x0 ss:$0x1] =	vst.idx.msk $0xffff, v5;
	v5 =	vld.idx.msk [tilespmem:v2+s30+$0x0 ss:$0x1], $0xffff;
	v8 =	vmul.f32 $6.400000000e+01, v8  }
0x4f: {  	s13 =	sor.u32 $0xC10, s2;
	[tilespmem:v1+s11+$0x0 ss:$0x1] =	vst.idx.msk $0xffff, v6  }
0x50: {  	v9 =	vadd.f32 $1.258291200e+07, v9;
	[tilespmem:v1+s10+$0x0 ss:$0x1] =	vst.idx.msk $0xffff, v7;
	v7 =	vld.idx.msk [tilespmem:v2+s13+$0x0 ss:$0x1], $0xffff;
	v8 =	vadd.f32 $1.258291200e+07, v8  }
0x51: {  	v10 =	vmul.f32 $6.400000000e+01, v10  }
0x52: {  	s1 =	sor.u32 $0x810, s2;
	v9 =	vshll.u32 v9, $0x4;
	v3 =	vld.idx.msk [tilespmem:v3+s3+$0x0], $0xffff;
	v8 =	vshll.u32 v8, $0x4  }
0x53: {  	v4 =	vadd.f32 $1.258291200e+07, v10;
	v6 =	vld.idx.msk [tilespmem:v2+s1+$0x0 ss:$0x1], $0xffff;
	v5 =	vmul.f32 $6.400000000e+01, v5;
	v8 =	vor.u32 v0, v8  }
0x54: {  	v9 =	vor.u32 v0, v9;
	v8 =	vand.u32 $0x7FFF, v8  }
0x55: {  	v4 =	vshll.u32 v4, $0x4;
	v7 =	vmul.f32 $6.400000000e+01, v7;
	v5 =	vadd.f32 $1.258291200e+07, v5  }
0x56: {  	s14 =	sor.u32 $0x1010, s2;
	v9 =	vand.u32 $0x7FFF, v9;
	v4 =	vor.u32 v0, v4  }
0x57: {  	s15 =	sor.u32 $0x1410, s2;
	v4 =	vand.u32 $0x7FFF, v4;
	v7 =	vadd.f32 $1.258291200e+07, v7;
	v5 =	vshll.u32 v5, $0x4;
	[tilespmem:v1+s25+$0x0 ss:$0x1] =	vst.idx.msk $0xffff, v3;
	v3 =	vld.idx.msk [tilespmem:v2+s14+$0x0 ss:$0x1], $0xffff  }
0x58: {  	v6 =	vmul.f32 $6.400000000e+01, v6;
	v5 =	vor.u32 v0, v5;
	v10 =	vld.idx.msk [tilespmem:v2+s15+$0x0 ss:$0x1], $0xffff  }
0x59: {  	v7 =	vshll.u32 v7, $0x4;
	v5 =	vand.u32 $0x7FFF, v5;
	v8 =	vld.idx.msk [tilespmem:v8+s3+$0x0], $0xffff  }
0x5a: {  	v6 =	vadd.f32 $1.258291200e+07, v6;
	v7 =	vor.u32 v0, v7  }
0x5b: {  	v9 =	vld.idx.msk [tilespmem:v9+s3+$0x0], $0xffff;
	v7 =	vand.u32 $0x7FFF, v7  }
0x5c: {  	v4 =	vld.idx.msk [tilespmem:v4+s3+$0x0], $0xffff;
	v6 =	vshll.u32 v6, $0x4;
	v3 =	vmul.f32 $6.400000000e+01, v3  }
0x5d: {  	v6 =	vor.u32 v0, v6;
	v10 =	vmul.f32 $6.400000000e+01, v10  }
0x5e: {  	s12 =	sor.u32 $0x1C30, s2;
	v6 =	vand.u32 $0x7FFF, v6;
	v5 =	vld.idx.msk [tilespmem:v5+s3+$0x0], $0xffff;
	v3 =	vadd.f32 $1.258291200e+07, v3;
	[tilespmem:v1+s26+$0x0 ss:$0x1] =	vst.idx.msk $0xffff, v8  }
0x5f: {  	v10 =	vadd.f32 $1.258291200e+07, v10;
	v8 =	vld.idx.msk [tilespmem:v2+s12+$0x0 ss:$0x1], $0xffff  }
0x60: {  	s16 =	sor.u32 $0x1810, s2;
	[tilespmem:v1+s28+$0x0 ss:$0x1] =	vst.idx.msk $0xffff, v9;
	v7 =	vld.idx.msk [tilespmem:v7+s3+$0x0], $0xffff;
	v3 =	vshll.u32 v3, $0x4  }
0x61: {  	s17 =	sor.u32 $0x10, s2;
	[tilespmem:v1+s2+$0x0 ss:$0x1] =	vst.idx.msk $0xffff, v4;
	v4 =	vld.idx.msk [tilespmem:v2+s16+$0x0 ss:$0x1], $0xffff;
	v9 =	vshll.u32 v10, $0x4;
	v3 =	vor.u32 v0, v3  }
0x62: {  	v10 =	vld.idx.msk [tilespmem:v2+s17+$0x0 ss:$0x1], $0xffff;
	v9 =	vor.u32 v0, v9;
	v3 =	vand.u32 $0x7FFF, v3  }
0x63: {  	v6 =	vld.idx.msk [tilespmem:v6+s3+$0x0], $0xffff;
	v9 =	vand.u32 $0x7FFF, v9  }
0x64: {  	s18 =	sor.u32 $0x420, s2;
	[tilespmem:v1+s30+$0x0 ss:$0x1] =	vst.idx.msk $0xffff, v5;
	v8 =	vmul.f32 $6.400000000e+01, v8  }
0x65: {  	s20 =	sor.u32 $0xC20, s2;
	[tilespmem:v1+s13+$0x0 ss:$0x1] =	vst.idx.msk $0xffff, v7;
	v5 =	vld.idx.msk [tilespmem:v2+s18+$0x0 ss:$0x1], $0xffff  }
0x66: {  	v4 =	vmul.f32 $6.400000000e+01, v4;
	v7 =	vld.idx.msk [tilespmem:v2+s20+$0x0 ss:$0x1], $0xffff;
	v8 =	vadd.f32 $1.258291200e+07, v8  }
0x67: {  	v10 =	vmul.f32 $6.400000000e+01, v10;
	v3 =	vld.idx.msk [tilespmem:v3+s3+$0x0], $0xffff  }
0x68: {  	v4 =	vadd.f32 $1.258291200e+07, v4;
	[tilespmem:v1+s1+$0x0 ss:$0x1] =	vst.idx.msk $0xffff, v6;
	v9 =	vld.idx.msk [tilespmem:v9+s3+$0x0], $0xffff;
	v6 =	vshll.u32 v8, $0x4  }
0x69: {  	s19 =	sor.u32 $0x820, s2;
	v8 =	vadd.f32 $1.258291200e+07, v10;
	v6 =	vor.u32 v0, v6  }
0x6a: {  	v4 =	vshll.u32 v4, $0x4;
	v10 =	vld.idx.msk [tilespmem:v2+s19+$0x0 ss:$0x1], $0xffff;
	v6 =	vand.u32 $0x7FFF, v6  }
0x6b: {  	v4 =	vor.u32 v0, v4;
	v8 =	vshll.u32 v8, $0x4  }
0x6c: {  	s21 =	sor.u32 $0x1020, s2;
	v4 =	vand.u32 $0x7FFF, v4;
	[tilespmem:v1+s14+$0x0 ss:$0x1] =	vst.idx.msk $0xffff, v3;
	v8 =	vor.u32 v0, v8  }
0x6d: {  	s22 =	sor.u32 $0x1420, s2;
	v5 =	vmul.f32 $6.400000000e+01, v5;
	v7 =	vmul.f32 $6.400000000e+01, v7;
	[tilespmem:v1+s15+$0x0 ss:$0x1] =	vst.idx.msk $0xffff, v9;
	v3 =	vand.u32 $0x7FFF, v8;
	v8 =	vld.idx.msk [tilespmem:v2+s21+$0x0 ss:$0x1], $0xffff  }
0x6e: {  	v9 =	vld.idx.msk [tilespmem:v2+s22+$0x0 ss:$0x1], $0xffff  }
0x6f: {  	v5 =	vadd.f32 $1.258291200e+07, v5;
	v7 =	vadd.f32 $1.258291200e+07, v7;
	v10 =	vmul.f32 $6.400000000e+01, v10;
	v6 =	vld.idx.msk [tilespmem:v6+s3+$0x0], $0xffff  }
0x70: {  	p2 =	por $0x0, $0x0;
	s1 =	simm.s32 $0x1  }
0x71: {  	s1 =	simm.s32 @!p2 $0x0;
	v4 =	vld.idx.msk [tilespmem:v4+s3+$0x0], $0xffff;
	v5 =	vshll.u32 v5, $0x4;
	v7 =	vshll.u32 v7, $0x4;
	v10 =	vadd.f32 $1.258291200e+07, v10  }
0x72: {  	s1 =	sshll.u32 s1, $0xD;
	v5 =	vor.u32 v0, v5;
	v7 =	vor.u32 v0, v7;
	v3 =	vld.idx.msk [tilespmem:v3+s3+$0x0], $0xffff;
	v8 =	vmul.f32 $6.400000000e+01, v8  }
0x73: {  	s1 =	sadd.s32 $0x0, s1;
	v5 =	vand.u32 $0x7FFF, v5;
	v9 =	vmul.f32 $6.400000000e+01, v9;
	v10 =	vshll.u32 v10, $0x4  }
0x74: {  	s13 =	sor.u32 $0x1C40, s1;
	v7 =	vand.u32 $0x7FFF, v7;
	v10 =	vor.u32 v0, v10;
	v8 =	vadd.f32 $1.258291200e+07, v8;
	[tilespmem:v1+s12+$0x0 ss:$0x1] =	vst.idx.msk $0xffff, v6  }
0x75: {  	v6 =	vadd.f32 $1.258291200e+07, v9;
	v9 =	vand.u32 $0x7FFF, v10;
	v10 =	vld.idx.msk [tilespmem:v2+s13+$0x0 ss:$0x1], $0xffff  }
0x76: {  	s23 =	sor.u32 $0x1820, s2;
	[tilespmem:v1+s16+$0x0 ss:$0x1] =	vst.idx.msk $0xffff, v4;
	v4 =	vshll.u32 v8, $0x4  }
0x77: {  	[tilespmem:v1+s17+$0x0 ss:$0x1] =	vst.idx.msk $0xffff, v3;
	v3 =	vld.idx.msk [tilespmem:v2+s23+$0x0 ss:$0x1], $0xffff;
	v4 =	vor.u32 v0, v4;
	v6 =	vshll.u32 v6, $0x4  }
0x78: {  	v5 =	vld.idx.msk [tilespmem:v5+s3+$0x0], $0xffff;
	v6 =	vor.u32 v0, v6;
	v4 =	vand.u32 $0x7FFF, v4  }
0x79: {  	s24 =	sor.u32 $0x20, s2;
	v7 =	vld.idx.msk [tilespmem:v7+s3+$0x0], $0xffff;
	v6 =	vand.u32 $0x7FFF, v6  }
0x7a: {  	v8 =	vld.idx.msk [tilespmem:v2+s24+$0x0 ss:$0x1], $0xffff;
	v10 =	vmul.f32 $6.400000000e+01, v10  }
0x7b: {  	v9 =	vld.idx.msk [tilespmem:v9+s3+$0x0], $0xffff  }
0x7c: {  	v3 =	vmul.f32 $6.400000000e+01, v3;
	v10 =	vadd.f32 $1.258291200e+07, v10  }
0x7d: {  	v4 =	vld.idx.msk [tilespmem:v4+s3+$0x0], $0xffff  }
0x7e: {  	[tilespmem:v1+s18+$0x0 ss:$0x1] =	vst.idx.msk $0xffff, v5;
	v3 =	vadd.f32 $1.258291200e+07, v3;
	v6 =	vld.idx.msk [tilespmem:v6+s3+$0x0], $0xffff;
	v5 =	vshll.u32 v10, $0x4  }
0x7f: {  	s6 =	sor.u32 $0x430, s2;
	[tilespmem:v1+s20+$0x0 ss:$0x1] =	vst.idx.msk $0xffff, v7;
	v8 =	vmul.f32 $6.400000000e+01, v8;
	v5 =	vor.u32 v0, v5  }
0x80: {  	s26 =	sor.u32 $0xC30, s2;
	[tilespmem:v1+s19+$0x0 ss:$0x1] =	vst.idx.msk $0xffff, v9;
	v9 =	vld.idx.msk [tilespmem:v2+s6+$0x0 ss:$0x1], $0xffff;
	v3 =	vshll.u32 v3, $0x4;
	v5 =	vand.u32 $0x7FFF, v5  }
0x81: {  	s25 =	sor.u32 $0x830, s2;
	v8 =	vadd.f32 $1.258291200e+07, v8;
	v10 =	vld.idx.msk [tilespmem:v2+s26+$0x0 ss:$0x1], $0xffff;
	v3 =	vor.u32 v0, v3  }
0x82: {  	s28 =	sor.u32 $0x1030, s2;
	v7 =	vld.idx.msk [tilespmem:v2+s25+$0x0 ss:$0x1], $0xffff;
	v3 =	vand.u32 $0x7FFF, v3;
	[tilespmem:v1+s21+$0x0 ss:$0x1] =	vst.idx.msk $0xffff, v4  }
0x83: {  	s30 =	sor.u32 $0x1430, s2;
	v8 =	vshll.u32 v8, $0x4;
	[tilespmem:v1+s22+$0x0 ss:$0x1] =	vst.idx.msk $0xffff, v6;
	v6 =	vld.idx.msk [tilespmem:v2+s28+$0x0 ss:$0x1], $0xffff  }
0x84: {  	v4 =	vor.u32 v0, v8;
	v8 =	vld.idx.msk [tilespmem:v2+s30+$0x0 ss:$0x1], $0xffff  }
0x85: {  	v4 =	vand.u32 $0x7FFF, v4;
	v9 =	vmul.f32 $6.400000000e+01, v9;
	v5 =	vld.idx.msk [tilespmem:v5+s3+$0x0], $0xffff;
	_ =	sdelay $0x1  }
0x86: {  	v9 =	vadd.f32 $1.258291200e+07, v9;
	v3 =	vld.idx.msk [tilespmem:v3+s3+$0x0], $0xffff  }
0x87: {  	s20 =	sor.u32 $0x30, s2;
	s19 =	simm.s32 $0x40;
	s21 =	simm.s32 $0x2000;
	v10 =	vmul.f32 $6.400000000e+01, v10  }
0x88: {  	s14 =	sor.u32 $0x1830, s2;
	s2 =	sand.u32 $0x380, s19;
	s8 =	sand.u32 $0x2000, s21;
	v6 =	vmul.f32 $6.400000000e+01, v6;
	v9 =	vshll.u32 v9, $0x4;
	v8 =	vmul.f32 $6.400000000e+01, v8  }
0x89: {  	s2 =	sor.u32 s2, s8;
	v7 =	vmul.f32 $6.400000000e+01, v7;
	v10 =	vadd.f32 $1.258291200e+07, v10;
	v4 =	vld.idx.msk [tilespmem:v4+s3+$0x0], $0xffff;
	v9 =	vor.u32 v0, v9;
	[tilespmem:v1+s13+$0x0 ss:$0x1] =	vst.idx.msk $0xffff, v5;
	s13 =	sor.u32 $0x1C50, s1  }
0x8a: {  	s21 =	sor.u32 $0x1C00, s2;
	v6 =	vadd.f32 $1.258291200e+07, v6;
	v5 =	vadd.f32 $1.258291200e+07, v8;
	v8 =	vand.u32 $0x7FFF, v9;
	v9 =	vld.idx.msk [tilespmem:v2+s13+$0x0 ss:$0x1], $0xffff  }
0x8b: {  	v11 =	vld.idx.msk [tilespmem:v2+s21+$0x0 ss:$0x1], $0xffff;
	v10 =	vshll.u32 v10, $0x4;
	[tilespmem:v1+s23+$0x0 ss:$0x1] =	vst.idx.msk $0xffff, v3  }
0x8c: {  	v7 =	vadd.f32 $1.258291200e+07, v7;
	v3 =	vshll.u32 v6, $0x4;
	v6 =	vor.u32 v0, v10;
	v10 =	vld.idx.msk [tilespmem:v2+s14+$0x0 ss:$0x1], $0xffff  }
0x8d: {  	v12 =	vld.idx.msk [tilespmem:v2+s2+$0x0 ss:$0x1], $0xffff;
	s16 =	sor.u32 $0x400, s2  }
0x8e: {  	v13 =	vld.idx.msk [tilespmem:v2+s16+$0x0 ss:$0x1], $0xffff;
	v7 =	vshll.u32 v7, $0x4;
	v5 =	vshll.u32 v5, $0x4;
	[tilespmem:v1+s24+$0x0 ss:$0x1] =	vst.idx.msk $0xffff, v4  }
0x8f: {  	s17 =	sor.u32 $0x800, s2;
	v7 =	vor.u32 v0, v7;
	v4 =	vor.u32 v0, v5;
	v5 =	vld.idx.msk [tilespmem:v2+s20+$0x0 ss:$0x1], $0xffff;
	v9 =	vmul.f32 $6.400000000e+01, v9  }
0x90: {  	s22 =	sor.u32 $0xC00, s2;
	v14 =	vld.idx.msk [tilespmem:v2+s17+$0x0 ss:$0x1], $0xffff;
	v7 =	vand.u32 $0x7FFF, v7;
	v11 =	vmul.f32 $6.400000000e+01, v11  }
0x91: {  	s15 =	sor.u32 $0x1400, s2;
	v15 =	vld.idx.msk [tilespmem:v2+s22+$0x0 ss:$0x1], $0xffff;
	v10 =	vmul.f32 $6.400000000e+01, v10;
	v9 =	vadd.f32 $1.258291200e+07, v9  }
0x92: {  	s18 =	sor.u32 $0x1800, s2;
	v17 =	vld.idx.msk [tilespmem:v2+s15+$0x0 ss:$0x1], $0xffff;
	v3 =	vor.u32 v0, v3;
	v6 =	vand.u32 $0x7FFF, v6;
	v11 =	vadd.f32 $1.258291200e+07, v11  }
0x93: {  	v18 =	vld.idx.msk [tilespmem:v2+s18+$0x0 ss:$0x1], $0xffff;
	v3 =	vand.u32 $0x7FFF, v3;
	v10 =	vadd.f32 $1.258291200e+07, v10;
	v9 =	vshll.u32 v9, $0x4  }
0x94: {  	v4 =	vand.u32 $0x7FFF, v4;
	v8 =	vld.idx.msk [tilespmem:v8+s3+$0x0], $0xffff;
	v5 =	vmul.f32 $6.400000000e+01, v5;
	v9 =	vor.u32 v0, v9  }
0x95: {  	s23 =	sor.u32 $0x1000, s2;
	v7 =	vld.idx.msk [tilespmem:v7+s3+$0x0], $0xffff;
	v10 =	vshll.u32 v10, $0x4;
	v9 =	vand.u32 $0x7FFF, v9  }
0x96: {  	v16 =	vld.idx.msk [tilespmem:v2+s23+$0x0 ss:$0x1], $0xffff;
	v11 =	vshll.u32 v11, $0x4;
	v5 =	vadd.f32 $1.258291200e+07, v5;
	v10 =	vor.u32 v0, v10  }
0x97: {  	v13 =	vmul.f32 $6.400000000e+01, v13;
	v11 =	vor.u32 v0, v11;
	v6 =	vld.idx.msk [tilespmem:v6+s3+$0x0], $0xffff;
	v10 =	vand.u32 $0x7FFF, v10  }
0x98: {  	v12 =	vmul.f32 $6.400000000e+01, v12;
	v11 =	vand.u32 $0x7FFF, v11;
	v3 =	vld.idx.msk [tilespmem:v3+s3+$0x0], $0xffff;
	v5 =	vshll.u32 v5, $0x4  }
0x99: {  	v14 =	vmul.f32 $6.400000000e+01, v14;
	v4 =	vld.idx.msk [tilespmem:v4+s3+$0x0], $0xffff;
	[tilespmem:v1+s6+$0x0 ss:$0x1] =	vst.idx.msk $0xffff, v8;
	v8 =	vadd.f32 $1.258291200e+07, v13;
	v5 =	vor.u32 v0, v5  }
0x9a: {  	s24 =	sor.u32 $0x440, s1;
	[tilespmem:v1+s25+$0x0 ss:$0x1] =	vst.idx.msk $0xffff, v7;
	v7 =	vadd.f32 $1.258291200e+07, v12;
	v12 =	vmul.f32 $6.400000000e+01, v17;
	v5 =	vand.u32 $0x7FFF, v5;
	v9 =	vld.idx.msk [tilespmem:v9+s3+$0x0], $0xffff  }
0x9b: {  	v16 =	vmul.f32 $6.400000000e+01, v16;
	v13 =	vmul.f32 $6.400000000e+01, v15;
	v15 =	vld.idx.msk [tilespmem:v2+s24+$0x0 ss:$0x1], $0xffff  }
0x9c: {  	v14 =	vadd.f32 $1.258291200e+07, v14;
	v8 =	vshll.u32 v8, $0x4;
	v12 =	vadd.f32 $1.258291200e+07, v12;
	v10 =	vld.idx.msk [tilespmem:v10+s3+$0x0], $0xffff  }
0x9d: {  	s9 =	sor.u32 $0x840, s1;
	v16 =	vadd.f32 $1.258291200e+07, v16;
	v11 =	vld.idx.msk [tilespmem:v11+s3+$0x0], $0xffff;
	[tilespmem:v1+s26+$0x0 ss:$0x1] =	vst.idx.msk $0xffff, v6;
	v7 =	vshll.u32 v7, $0x4;
	v8 =	vor.u32 v0, v8  }
0x9e: {  	v6 =	vld.idx.msk [tilespmem:v2+s9+$0x0 ss:$0x1], $0xffff;
	[tilespmem:v1+s28+$0x0 ss:$0x1] =	vst.idx.msk $0xffff, v3;
	v7 =	vor.u32 v0, v7;
	v8 =	vand.u32 $0x7FFF, v8;
	v12 =	vshll.u32 v12, $0x4  }
0x9f: {  	s10 =	sor.u32 $0xC40, s1;
	v7 =	vand.u32 $0x7FFF, v7;
	v12 =	vor.u32 v0, v12;
	v5 =	vld.idx.msk [tilespmem:v5+s3+$0x0], $0xffff;
	[tilespmem:v1+s13+$0x0 ss:$0x1] =	vst.idx.msk $0xffff, v9;
	v9 =	vadd.f32 $1.258291200e+07, v13  }
0xa0: {  	s19 =	sor.u32 $0x1C60, s1;
	v14 =	vshll.u32 v14, $0x4;
	v3 =	vld.idx.msk [tilespmem:v2+s10+$0x0 ss:$0x1], $0xffff;
	[tilespmem:v1+s30+$0x0 ss:$0x1] =	vst.idx.msk $0xffff, v4;
	v12 =	vand.u32 $0x7FFF, v12  }
0xa1: {  	s26 =	sor.u32 $0x1040, s1;
	v13 =	vld.idx.msk [tilespmem:v2+s19+$0x0 ss:$0x1], $0xffff;
	[tilespmem:v1+s14+$0x0 ss:$0x1] =	vst.idx.msk $0xffff, v10;
	v10 =	vshll.u32 v16, $0x4;
	v4 =	vshll.u32 v9, $0x4;
	v9 =	vor.u32 v0, v14  }
0xa2: {  	v17 =	vmul.f32 $6.400000000e+01, v18;
	v18 =	vld.idx.msk [tilespmem:v2+s26+$0x0 ss:$0x1], $0xffff;
	v10 =	vor.u32 v0, v10;
	v9 =	vand.u32 $0x7FFF, v9  }
0xa3: {  	v8 =	vld.idx.msk [tilespmem:v8+s3+$0x0], $0xffff;
	v4 =	vor.u32 v0, v4;
	v10 =	vand.u32 $0x7FFF, v10  }
0xa4: {  	v7 =	vld.idx.msk [tilespmem:v7+s3+$0x0], $0xffff;
	[tilespmem:v1+s20+$0x0 ss:$0x1] =	vst.idx.msk $0xffff, v5;
	v5 =	vadd.f32 $1.258291200e+07, v17;
	v4 =	vand.u32 $0x7FFF, v4  }
0xa5: {  	s7 =	sor.u32 $0x1440, s1;
	v12 =	vld.idx.msk [tilespmem:v12+s3+$0x0], $0xffff  }
0xa6: {  	v14 =	vld.idx.msk [tilespmem:v2+s7+$0x0 ss:$0x1], $0xffff;
	v5 =	vshll.u32 v5, $0x4;
	v13 =	vmul.f32 $6.400000000e+01, v13  }
0xa7: {  	v15 =	vmul.f32 $6.400000000e+01, v15;
	v5 =	vor.u32 v0, v5;
	v9 =	vld.idx.msk [tilespmem:v9+s3+$0x0], $0xffff  }
0xa8: {  	v5 =	vand.u32 $0x7FFF, v5;
	v13 =	vadd.f32 $1.258291200e+07, v13;
	v10 =	vld.idx.msk [tilespmem:v10+s3+$0x0], $0xffff  }
0xa9: {  	s28 =	sor.u32 $0x1C10, s2;
	[tilespmem:v1+s21+$0x0 ss:$0x1] =	vst.idx.msk $0xffff, v11;
	v6 =	vmul.f32 $6.400000000e+01, v6;
	v15 =	vadd.f32 $1.258291200e+07, v15;
	v4 =	vld.idx.msk [tilespmem:v4+s3+$0x0], $0xffff  }
0xaa: {  	s6 =	sor.u32 $0x1840, s1;
	v3 =	vmul.f32 $6.400000000e+01, v3;
	v11 =	vshll.u32 v13, $0x4;
	v13 =	vld.idx.msk [tilespmem:v2+s28+$0x0 ss:$0x1], $0xffff  }
0xab: {  	s5 =	sor.u32 $0x40, s1;
	v6 =	vadd.f32 $1.258291200e+07, v6;
	v15 =	vshll.u32 v15, $0x4;
	v16 =	vld.idx.msk [tilespmem:v2+s6+$0x0 ss:$0x1], $0xffff  }
0xac: {  	v3 =	vadd.f32 $1.258291200e+07, v3;
	v15 =	vor.u32 v0, v15;
	[tilespmem:v1+s16+$0x0 ss:$0x1] =	vst.idx.msk $0xffff, v8;
	v17 =	vld.idx.msk [tilespmem:v2+s5+$0x0 ss:$0x1], $0xffff  }
0xad: {  	v6 =	vshll.u32 v6, $0x4;
	s14 =	sor.u32 $0x410, s2;
	v14 =	vmul.f32 $6.400000000e+01, v14;
	v11 =	vor.u32 v0, v11;
	v5 =	vld.idx.msk [tilespmem:v5+s3+$0x0], $0xffff;
	[tilespmem:v1+s17+$0x0 ss:$0x1] =	vst.idx.msk $0xffff, v9  }
0xae: {  	v3 =	vshll.u32 v3, $0x4;
	v15 =	vand.u32 $0x7FFF, v15;
	s16 =	sor.u32 $0x810, s2;
	v11 =	vand.u32 $0x7FFF, v11;
	v9 =	vld.idx.msk [tilespmem:v2+s14+$0x0 ss:$0x1], $0xffff;
	[tilespmem:v1+s23+$0x0 ss:$0x1] =	vst.idx.msk $0xffff, v10  }
0xaf: {  	s12 =	sor.u32 $0x1010, s2;
	v6 =	vor.u32 v0, v6;
	v14 =	vadd.f32 $1.258291200e+07, v14;
	[tilespmem:v1+s22+$0x0 ss:$0x1] =	vst.idx.msk $0xffff, v4;
	v4 =	vld.idx.msk [tilespmem:v2+s16+$0x0 ss:$0x1], $0xffff;
	v13 =	vmul.f32 $6.400000000e+01, v13  }
0xb0: {  	v18 =	vmul.f32 $6.400000000e+01, v18;
	v3 =	vor.u32 v0, v3;
	v6 =	vand.u32 $0x7FFF, v6;
	[tilespmem:v1+s15+$0x0 ss:$0x1] =	vst.idx.msk $0xffff, v12;
	s17 =	sor.u32 $0xC10, s2;
	v12 =	vld.idx.msk [tilespmem:v2+s12+$0x0 ss:$0x1], $0xffff  }
0xb1: {  	s21 =	sor.u32 $0x1410, s2;
	v3 =	vand.u32 $0x7FFF, v3;
	v14 =	vshll.u32 v14, $0x4;
	v10 =	vld.idx.msk [tilespmem:v2+s17+$0x0 ss:$0x1], $0xffff;
	v13 =	vadd.f32 $1.258291200e+07, v13  }
0xb2: {  	v16 =	vmul.f32 $6.400000000e+01, v16;
	v14 =	vor.u32 v0, v14;
	[tilespmem:v1+s18+$0x0 ss:$0x1] =	vst.idx.msk $0xffff, v5;
	v5 =	vld.idx.msk [tilespmem:v2+s21+$0x0 ss:$0x1], $0xffff  }
0xb3: {  	v14 =	vand.u32 $0x7FFF, v14;
	v8 =	vld.idx.msk [tilespmem:v11+s3+$0x0], $0xffff;
	v11 =	vadd.f32 $1.258291200e+07, v18;
	v13 =	vshll.u32 v13, $0x4  }
0xb4: {  	v15 =	vld.idx.msk [tilespmem:v15+s3+$0x0], $0xffff;
	v17 =	vmul.f32 $6.400000000e+01, v17;
	v16 =	vadd.f32 $1.258291200e+07, v16;
	v13 =	vor.u32 v0, v13  }
0xb5: {  	v6 =	vld.idx.msk [tilespmem:v6+s3+$0x0], $0xffff;
	v9 =	vmul.f32 $6.400000000e+01, v9;
	v11 =	vshll.u32 v11, $0x4;
	v13 =	vand.u32 $0x7FFF, v13  }
0xb6: {  	s30 =	sor.u32 $0x1810, s2;
	v3 =	vld.idx.msk [tilespmem:v3+s3+$0x0], $0xffff;
	v4 =	vmul.f32 $6.400000000e+01, v4;
	v12 =	vmul.f32 $6.400000000e+01, v12;
	v11 =	vor.u32 v0, v11  }
0xb7: {  	[tilespmem:v1+s2+$0x0 ss:$0x1] =	vst.idx.msk $0xffff, v7;
	v18 =	vld.idx.msk [tilespmem:v2+s30+$0x0 ss:$0x1], $0xffff;
	v9 =	vadd.f32 $1.258291200e+07, v9;
	v10 =	vmul.f32 $6.400000000e+01, v10;
	v11 =	vand.u32 $0x7FFF, v11  }
0xb8: {  	s25 =	sor.u32 $0x10, s2;
	v14 =	vld.idx.msk [tilespmem:v14+s3+$0x0], $0xffff;
	v4 =	vadd.f32 $1.258291200e+07, v4;
	v5 =	vmul.f32 $6.400000000e+01, v5;
	[tilespmem:v1+s19+$0x0 ss:$0x1] =	vst.idx.msk $0xffff, v8;
	v8 =	vshll.u32 v16, $0x4  }
0xb9: {  	v16 =	vadd.f32 $1.258291200e+07, v17;
	v17 =	vld.idx.msk [tilespmem:v2+s25+$0x0 ss:$0x1], $0xffff;
	v10 =	vadd.f32 $1.258291200e+07, v10;
	v8 =	vor.u32 v0, v8  }
0xba: {  	s4 =	sor.u32 $0x1C70, s1;
	[tilespmem:v1+s24+$0x0 ss:$0x1] =	vst.idx.msk $0xffff, v15;
	v9 =	vshll.u32 v9, $0x4;
	v4 =	vshll.u32 v4, $0x4;
	v8 =	vand.u32 $0x7FFF, v8;
	v13 =	vld.idx.msk [tilespmem:v13+s3+$0x0], $0xffff  }
0xbb: {  	[tilespmem:v1+s9+$0x0 ss:$0x1] =	vst.idx.msk $0xffff, v6;
	s22 =	sor.u32 $0x450, s1;
	v7 =	vld.idx.msk [tilespmem:v2+s4+$0x0 ss:$0x1], $0xffff;
	v9 =	vor.u32 v0, v9;
	v16 =	vshll.u32 v16, $0x4;
	v10 =	vshll.u32 v10, $0x4  }
0xbc: {  	v4 =	vor.u32 v0, v4;
	v9 =	vand.u32 $0x7FFF, v9;
	v6 =	vor.u32 v0, v10;
	v10 =	vld.idx.msk [tilespmem:v2+s22+$0x0 ss:$0x1], $0xffff  }
0xbd: {  	s23 =	sor.u32 $0x850, s1;
	v18 =	vmul.f32 $6.400000000e+01, v18;
	v16 =	vor.u32 v0, v16;
	v4 =	vand.u32 $0x7FFF, v4;
	v11 =	vld.idx.msk [tilespmem:v11+s3+$0x0], $0xffff  }
0xbe: {  	[tilespmem:v1+s10+$0x0 ss:$0x1] =	vst.idx.msk $0xffff, v3;
	v5 =	vadd.f32 $1.258291200e+07, v5;
	v16 =	vand.u32 $0x7FFF, v16;
	v3 =	vand.u32 $0x7FFF, v6;
	v6 =	vld.idx.msk [tilespmem:v2+s23+$0x0 ss:$0x1], $0xffff  }
0xbf: {  	v8 =	vld.idx.msk [tilespmem:v8+s3+$0x0], $0xffff;
	[tilespmem:v1+s28+$0x0 ss:$0x1] =	vst.idx.msk $0xffff, v13;
	s28 =	sor.u32 $0x1C20, s2  }
0xc0: {  	v12 =	vadd.f32 $1.258291200e+07, v12;
	v5 =	vshll.u32 v5, $0x4;
	v13 =	vadd.f32 $1.258291200e+07, v18;
	v18 =	vld.idx.msk [tilespmem:v2+s28+$0x0 ss:$0x1], $0xffff  }
0xc1: {  	v5 =	vor.u32 v0, v5;
	v9 =	vld.idx.msk [tilespmem:v9+s3+$0x0], $0xffff  }
0xc2: {  	v12 =	vshll.u32 v12, $0x4;
	v5 =	vand.u32 $0x7FFF, v5;
	v7 =	vmul.f32 $6.400000000e+01, v7;
	v4 =	vld.idx.msk [tilespmem:v4+s3+$0x0], $0xffff  }
0xc3: {  	s24 =	sor.u32 $0xC50, s1;
	v12 =	vor.u32 v0, v12;
	v15 =	vld.idx.msk [tilespmem:v16+s3+$0x0], $0xffff  }
0xc4: {  	v17 =	vmul.f32 $6.400000000e+01, v17;
	v7 =	vadd.f32 $1.258291200e+07, v7;
	[tilespmem:v1+s26+$0x0 ss:$0x1] =	vst.idx.msk $0xffff, v11;
	v11 =	vand.u32 $0x7FFF, v12;
	v12 =	vld.idx.msk [tilespmem:v2+s24+$0x0 ss:$0x1], $0xffff  }
0xc5: {  	s8 =	sor.u32 $0x1050, s1;
	v10 =	vmul.f32 $6.400000000e+01, v10;
	v3 =	vld.idx.msk [tilespmem:v3+s3+$0x0], $0xffff;
	v18 =	vmul.f32 $6.400000000e+01, v18  }
0xc6: {  	v16 =	vadd.f32 $1.258291200e+07, v17;
	v6 =	vmul.f32 $6.400000000e+01, v6;
	v17 =	vld.idx.msk [tilespmem:v2+s8+$0x0 ss:$0x1], $0xffff;
	v7 =	vshll.u32 v7, $0x4  }
0xc7: {  	s26 =	sor.u32 $0x420, s2;
	v5 =	vld.idx.msk [tilespmem:v5+s3+$0x0], $0xffff;
	v13 =	vshll.u32 v13, $0x4;
	v7 =	vor.u32 v0, v7;
	[tilespmem:v1+s14+$0x0 ss:$0x1] =	vst.idx.msk $0xffff, v9;
	v18 =	vadd.f32 $1.258291200e+07, v18  }
0xc8: {  	v16 =	vshll.u32 v16, $0x4;
	v13 =	vor.u32 v0, v13;
	v7 =	vand.u32 $0x7FFF, v7;
	[tilespmem:v1+s6+$0x0 ss:$0x1] =	vst.idx.msk $0xffff, v8;
	v9 =	vld.idx.msk [tilespmem:v2+s26+$0x0 ss:$0x1], $0xffff  }
0xc9: {  	s10 =	sor.u32 $0x820, s2;
	v16 =	vor.u32 v0, v16;
	v13 =	vand.u32 $0x7FFF, v13;
	[tilespmem:v1+s16+$0x0 ss:$0x1] =	vst.idx.msk $0xffff, v4;
	v11 =	vld.idx.msk [tilespmem:v11+s3+$0x0], $0xffff;
	v18 =	vshll.u32 v18, $0x4  }
0xca: {  	s13 =	sor.u32 $0x1850, s1;
	v16 =	vand.u32 $0x7FFF, v16;
	v4 =	vadd.f32 $1.258291200e+07, v10;
	v10 =	vld.idx.msk [tilespmem:v2+s10+$0x0 ss:$0x1], $0xffff;
	[tilespmem:v1+s17+$0x0 ss:$0x1] =	vst.idx.msk $0xffff, v3;
	v18 =	vor.u32 v0, v18  }
0xcb: {  	s18 =	sor.u32 $0xC20, s2;
	[tilespmem:v1+s5+$0x0 ss:$0x1] =	vst.idx.msk $0xffff, v15;
	v15 =	vld.idx.msk [tilespmem:v2+s13+$0x0 ss:$0x1], $0xffff;
	v18 =	vand.u32 $0x7FFF, v18  }
0xcc: {  	v6 =	vadd.f32 $1.258291200e+07, v6;
	v19 =	vld.idx.msk [tilespmem:v2+s18+$0x0 ss:$0x1], $0xffff;
	v4 =	vshll.u32 v4, $0x4  }
0xcd: {  	v12 =	vmul.f32 $6.400000000e+01, v12;
	v4 =	vor.u32 v0, v4;
	v3 =	vld.idx.msk [tilespmem:v7+s3+$0x0], $0xffff  }
0xce: {  	v6 =	vshll.u32 v6, $0x4;
	v17 =	vmul.f32 $6.400000000e+01, v17;
	v4 =	vand.u32 $0x7FFF, v4;
	v13 =	vld.idx.msk [tilespmem:v13+s3+$0x0], $0xffff  }
0xcf: {  	v6 =	vor.u32 v0, v6;
	[tilespmem:v1+s21+$0x0 ss:$0x1] =	vst.idx.msk $0xffff, v5;
	v7 =	vadd.f32 $1.258291200e+07, v12;
	v16 =	vld.idx.msk [tilespmem:v16+s3+$0x0], $0xffff  }
0xd0: {  	s20 =	sor.u32 $0x1420, s2;
	v6 =	vand.u32 $0x7FFF, v6;
	v9 =	vmul.f32 $6.400000000e+01, v9;
	[tilespmem:v1+s12+$0x0 ss:$0x1] =	vst.idx.msk $0xffff, v11;
	v11 =	vadd.f32 $1.258291200e+07, v17;
	v18 =	vld.idx.msk [tilespmem:v18+s3+$0x0], $0xffff  }
0xd1: {  	s19 =	sor.u32 $0x1020, s2;
	v12 =	vld.idx.msk [tilespmem:v2+s20+$0x0 ss:$0x1], $0xffff;
	v7 =	vshll.u32 v7, $0x4;
	v10 =	vmul.f32 $6.400000000e+01, v10;
	v15 =	vmul.f32 $6.400000000e+01, v15  }
0xd2: {  	v5 =	vld.idx.msk [tilespmem:v2+s19+$0x0 ss:$0x1], $0xffff;
	v7 =	vor.u32 v0, v7;
	v9 =	vadd.f32 $1.258291200e+07, v9;
	v11 =	vshll.u32 v11, $0x4  }
0xd3: {  	s21 =	sor.u32 $0x1820, s2;
	v17 =	vmul.f32 $6.400000000e+01, v19;
	v7 =	vand.u32 $0x7FFF, v7;
	v11 =	vor.u32 v0, v11;
	v4 =	vld.idx.msk [tilespmem:v4+s3+$0x0], $0xffff;
	[tilespmem:v1+s30+$0x0 ss:$0x1] =	vst.idx.msk $0xffff, v13  }
0xd4: {  	v10 =	vadd.f32 $1.258291200e+07, v10;
	v9 =	vshll.u32 v9, $0x4;
	s30 =	sor.u32 $0x20, s2;
	[tilespmem:v1+s25+$0x0 ss:$0x1] =	vst.idx.msk $0xffff, v16;
	v11 =	vand.u32 $0x7FFF, v11;
	v13 =	vld.idx.msk [tilespmem:v2+s21+$0x0 ss:$0x1], $0xffff  }
0xd5: {  	s11 =	sor.u32 $0x1C30, s2;
	v15 =	vadd.f32 $1.258291200e+07, v15;
	v17 =	vadd.f32 $1.258291200e+07, v17;
	v9 =	vor.u32 v0, v9;
	v16 =	vld.idx.msk [tilespmem:v2+s30+$0x0 ss:$0x1], $0xffff;
	[tilespmem:v1+s28+$0x0 ss:$0x1] =	vst.idx.msk $0xffff, v18  }
0xd6: {  	[tilespmem:v1+s7+$0x0 ss:$0x1] =	vst.idx.msk $0xffff, v14;
	v12 =	vmul.f32 $6.400000000e+01, v12;
	v10 =	vshll.u32 v10, $0x4;
	v9 =	vand.u32 $0x7FFF, v9;
	v14 =	vld.idx.msk [tilespmem:v2+s11+$0x0 ss:$0x1], $0xffff  }
0xd7: {  	v6 =	vld.idx.msk [tilespmem:v6+s3+$0x0], $0xffff;
	v15 =	vshll.u32 v15, $0x4;
	v10 =	vor.u32 v0, v10;
	v5 =	vmul.f32 $6.400000000e+01, v5  }
0xd8: {  	v17 =	vshll.u32 v17, $0x4;
	v15 =	vor.u32 v0, v15;
	v10 =	vand.u32 $0x7FFF, v10;
	v7 =	vld.idx.msk [tilespmem:v7+s3+$0x0], $0xffff  }
0xd9: {  	s16 =	sor.u32 $0x50, s1;
	v12 =	vadd.f32 $1.258291200e+07, v12;
	v15 =	vand.u32 $0x7FFF, v15;
	v5 =	vadd.f32 $1.258291200e+07, v5;
	v11 =	vld.idx.msk [tilespmem:v11+s3+$0x0], $0xffff  }
0xda: {  	v8 =	vmul.f32 $6.400000000e+01, v13;
	v13 =	vmul.f32 $6.400000000e+01, v16;
	v16 =	vor.u32 v0, v17;
	v17 =	vld.idx.msk [tilespmem:v2+s16+$0x0 ss:$0x1], $0xffff  }
0xdb: {  	s17 =	sor.u32 $0x460, s1;
	[tilespmem:v1+s22+$0x0 ss:$0x1] =	vst.idx.msk $0xffff, v4;
	v5 =	vshll.u32 v5, $0x4;
	v9 =	vld.idx.msk [tilespmem:v9+s3+$0x0], $0xffff;
	v14 =	vmul.f32 $6.400000000e+01, v14  }
0xdc: {  	v4 =	vor.u32 v0, v5;
	v5 =	vshll.u32 v12, $0x4;
	v12 =	vand.u32 $0x7FFF, v16;
	v16 =	vld.idx.msk [tilespmem:v2+s17+$0x0 ss:$0x1], $0xffff  }
0xdd: {  	v10 =	vld.idx.msk [tilespmem:v10+s3+$0x0], $0xffff;
	v14 =	vadd.f32 $1.258291200e+07, v14  }
0xde: {  	s12 =	sor.u32 $0x1450, s1;
	[tilespmem:v1+s23+$0x0 ss:$0x1] =	vst.idx.msk $0xffff, v6;
	v15 =	vld.idx.msk [tilespmem:v15+s3+$0x0], $0xffff;
	v8 =	vadd.f32 $1.258291200e+07, v8;
	v4 =	vand.u32 $0x7FFF, v4  }
0xdf: {  	s7 =	sor.u32 $0xC60, s1;
	v18 =	vld.idx.msk [tilespmem:v2+s12+$0x0 ss:$0x1], $0xffff;
	v13 =	vadd.f32 $1.258291200e+07, v13;
	v5 =	vor.u32 v0, v5;
	[tilespmem:v1+s24+$0x0 ss:$0x1] =	vst.idx.msk $0xffff, v7;
	v6 =	vshll.u32 v14, $0x4  }
0xe0: {  	v5 =	vand.u32 $0x7FFF, v5;
	v7 =	vshll.u32 v8, $0x4;
	v8 =	vld.idx.msk [tilespmem:v2+s7+$0x0 ss:$0x1], $0xffff;
	v6 =	vor.u32 v0, v6  }
0xe1: {  	s9 =	sor.u32 $0x430, s2;
	v13 =	vshll.u32 v13, $0x4;
	v7 =	vor.u32 v0, v7;
	[tilespmem:v1+s26+$0x0 ss:$0x1] =	vst.idx.msk $0xffff, v9;
	v12 =	vld.idx.msk [tilespmem:v12+s3+$0x0], $0xffff;
	v6 =	vand.u32 $0x7FFF, v6  }
0xe2: {  	v13 =	vor.u32 v0, v13;
	v7 =	vand.u32 $0x7FFF, v7;
	[tilespmem:v1+s10+$0x0 ss:$0x1] =	vst.idx.msk $0xffff, v10;
	v10 =	vld.idx.msk [tilespmem:v2+s9+$0x0 ss:$0x1], $0xffff  }
0xe3: {  	s15 =	sor.u32 $0x860, s1;
	v13 =	vand.u32 $0x7FFF, v13;
	v4 =	vld.idx.msk [tilespmem:v4+s3+$0x0], $0xffff  }
0xe4: {  	v18 =	vmul.f32 $6.400000000e+01, v18;
	v14 =	vld.idx.msk [tilespmem:v2+s15+$0x0 ss:$0x1], $0xffff  }
0xe5: {  	v17 =	vmul.f32 $6.400000000e+01, v17;
	v5 =	vld.idx.msk [tilespmem:v5+s3+$0x0], $0xffff  }
0xe6: {  	v18 =	vadd.f32 $1.258291200e+07, v18;
	v6 =	vld.idx.msk [tilespmem:v6+s3+$0x0], $0xffff  }
0xe7: {  	v17 =	vadd.f32 $1.258291200e+07, v17;
	v7 =	vld.idx.msk [tilespmem:v7+s3+$0x0], $0xffff  }
0xe8: {  	p2 =	por !p2, !p2;
	s5 =	simm.s32 $0x1;
	s28 =	sor.u32 $0x830, s2;
	v9 =	vld.idx.msk [tilespmem:v13+s3+$0x0], $0xffff;
	v13 =	vmul.f32 $6.400000000e+01, v16;
	v16 =	vshll.u32 v18, $0x4;
	[tilespmem:v1+s18+$0x0 ss:$0x1] =	vst.idx.msk $0xffff, v12  }
0xe9: {  	s5 =	simm.s32 @!p2 $0x0;
	s23 =	sor.u32 $0xC30, s2;
	v17 =	vshll.u32 v17, $0x4;
	v12 =	vld.idx.msk [tilespmem:v2+s28+$0x0 ss:$0x1], $0xffff;
	v16 =	vor.u32 v0, v16;
	[tilespmem:v1+s19+$0x0 ss:$0x1] =	vst.idx.msk $0xffff, v4;
	v14 =	vmul.f32 $6.400000000e+01, v14  }
0xea: {  	s25 =	sor.u32 $0x1030, s2;
	s24 =	sshll.u32 s5, $0xD;
	v8 =	vmul.f32 $6.400000000e+01, v8;
	v18 =	vld.idx.msk [tilespmem:v2+s23+$0x0 ss:$0x1], $0xffff;
	v13 =	vadd.f32 $1.258291200e+07, v13;
	v16 =	vand.u32 $0x7FFF, v16;
	[tilespmem:v1+s20+$0x0 ss:$0x1] =	vst.idx.msk $0xffff, v5  }
0xeb: {  	s6 =	sor.u32 $0x1430, s2;
	s14 =	sadd.s32 $0x40, s24;
	v5 =	vld.idx.msk [tilespmem:v2+s25+$0x0 ss:$0x1], $0xffff;
	v14 =	vadd.f32 $1.258291200e+07, v14;
	[tilespmem:v1+s11+$0x0 ss:$0x1] =	vst.idx.msk $0xffff, v6;
	v6 =	vor.u32 v0, v17  }
0xec: {  	s10 =	sor.u32 $0x1C40, s14;
	v8 =	vadd.f32 $1.258291200e+07, v8;
	v13 =	vshll.u32 v13, $0x4;
	[tilespmem:v1+s21+$0x0 ss:$0x1] =	vst.idx.msk $0xffff, v7;
	v7 =	vld.idx.msk [tilespmem:v2+s6+$0x0 ss:$0x1], $0xffff;
	v6 =	vand.u32 $0x7FFF, v6  }
0xed: {  	s26 =	sor.u32 $0x1830, s2;
	v13 =	vor.u32 v0, v13;
	v14 =	vshll.u32 v14, $0x4;
	v4 =	vld.idx.msk [tilespmem:v2+s10+$0x0 ss:$0x1], $0xffff  }
0xee: {  	v8 =	vshll.u32 v8, $0x4;
	[tilespmem:v1+s30+$0x0 ss:$0x1] =	vst.idx.msk $0xffff, v9;
	v9 =	vld.idx.msk [tilespmem:v2+s26+$0x0 ss:$0x1], $0xffff;
	v13 =	vand.u32 $0x7FFF, v13;
	v14 =	vor.u32 v0, v14  }
0xef: {  	s19 =	sor.u32 $0x30, s2;
	v8 =	vor.u32 v0, v8;
	v16 =	vld.idx.msk [tilespmem:v16+s3+$0x0], $0xffff;
	v14 =	vand.u32 $0x7FFF, v14  }
0xf0: {  	[tilespmem:v1+s8+$0x0 ss:$0x1] =	vst.idx.msk $0xffff, v11;
	v8 =	vand.u32 $0x7FFF, v8;
	s30 =	sor.u32 $0x1060, s1;
	v17 =	vld.idx.msk [tilespmem:v2+s19+$0x0 ss:$0x1], $0xffff  }
0xf1: {  	v6 =	vld.idx.msk [tilespmem:v6+s3+$0x0], $0xffff;
	[dreg:$0x6] =	wrdreg s30  }
0xf2: {  	v11 =	vmul.f32 $6.400000000e+01, v18;
	v4 =	vmul.f32 $6.400000000e+01, v4;
	v18 =	vld.idx.msk [tilespmem:v2+s30+$0x0 ss:$0x1], $0xffff  }
0xf3: {  	v13 =	vld.idx.msk [tilespmem:v13+s3+$0x0], $0xffff  }
0xf4: {  	s5 =	sor.u32 $0x1460, s1;
	v14 =	vld.idx.msk [tilespmem:v14+s3+$0x0], $0xffff;
	[tilespmem:v1+s12+$0x0 ss:$0x1] =	vst.idx.msk $0xffff, v16;
	v4 =	vadd.f32 $1.258291200e+07, v4  }
0xf5: {  	v10 =	vmul.f32 $6.400000000e+01, v10;
	v8 =	vld.idx.msk [tilespmem:v8+s3+$0x0], $0xffff;
	[dreg:$0x10] =	wrdreg s5  }
0xf6: {  	v17 =	vmul.f32 $6.400000000e+01, v17;
	[tilespmem:v1+s13+$0x0 ss:$0x1] =	vst.idx.msk $0xffff, v15;
	v4 =	vshll.u32 v4, $0x4  }
0xf7: {  	v10 =	vadd.f32 $1.258291200e+07, v10;
	s11 =	sor.u32 $0x1860, s1;
	v4 =	vor.u32 v0, v4;
	[tilespmem:v1+s16+$0x0 ss:$0x1] =	vst.idx.msk $0xffff, v6  }
0xf8: {  	v12 =	vmul.f32 $6.400000000e+01, v12;
	v16 =	vadd.f32 $1.258291200e+07, v17;
	s12 =	sor.u32 $0x60, s1;
	v17 =	vld.idx.msk [tilespmem:v2+s5+$0x0 ss:$0x1], $0xffff;
	v4 =	vand.u32 $0x7FFF, v4;
	[dreg:$0x8] =	wrdreg s11  }
0xf9: {  	v6 =	vld.idx.msk [tilespmem:v2+s11+$0x0 ss:$0x1], $0xffff;
	[dreg:$0x7] =	wrdreg s12  }
0xfa: {  	v10 =	vshll.u32 v10, $0x4;
	v12 =	vadd.f32 $1.258291200e+07, v12;
	v5 =	vmul.f32 $6.400000000e+01, v5;
	s16 =	sor.u32 $0x470, s1;
	[tilespmem:v1+s17+$0x0 ss:$0x1] =	vst.idx.msk $0xffff, v13  }
0xfb: {  	v10 =	vor.u32 v0, v10;
	v11 =	vadd.f32 $1.258291200e+07, v11;
	v15 =	vshll.u32 v16, $0x4;
	v16 =	vld.idx.msk [tilespmem:v2+s12+$0x0 ss:$0x1], $0xffff;
	[dreg:$0x4] =	wrdreg s16  }
0xfc: {  	v10 =	vand.u32 $0x7FFF, v10;
	v12 =	vshll.u32 v12, $0x4;
	v5 =	vadd.f32 $1.258291200e+07, v5;
	v13 =	vld.idx.msk [tilespmem:v2+s16+$0x0 ss:$0x1], $0xffff;
	[tilespmem:v1+s15+$0x0 ss:$0x1] =	vst.idx.msk $0xffff, v14  }
0xfd: {  	s20 =	sadd.s32 s29, s0;
	v7 =	vmul.f32 $6.400000000e+01, v7;
	v11 =	vshll.u32 v11, $0x4;
	v12 =	vor.u32 v0, v12;
	s17 =	sor.u32 $0x870, s1;
	[tilespmem:v1+s7+$0x0 ss:$0x1] =	vst.idx.msk $0xffff, v8;
	v4 =	vld.idx.msk [tilespmem:v4+s3+$0x0], $0xffff  }
0xfe: {  	s18 =	sor.u32 $0xC70, s1;
	v5 =	vshll.u32 v5, $0x4;
	v11 =	vor.u32 v0, v11;
	v12 =	vand.u32 $0x7FFF, v12;
	v8 =	vld.idx.msk [tilespmem:v2+s17+$0x0 ss:$0x1], $0xffff;
	[smem:$0x7F7] =	sst s20  }
0xff: {  	s21 =	sor.u32 $0x1070, s1;
	v7 =	vadd.f32 $1.258291200e+07, v7;
	v5 =	vor.u32 v0, v5;
	v11 =	vand.u32 $0x7FFF, v11;
	[dreg:$0x5] =	wrdreg s18  }
0x100: {  	s24 =	sor.u32 $0x1470, s1;
	v5 =	vand.u32 $0x7FFF, v5;
	v14 =	vmul.f32 $6.400000000e+01, v18;
	v18 =	vld.idx.msk [tilespmem:v2+s18+$0x0 ss:$0x1], $0xffff;
	[dreg:$0xb] =	wrdreg s21  }
0x101: {  	s22 =	smov.u32 s26;
	s26 =	sor.u32 $0x1870, s1;
	v9 =	vmul.f32 $6.400000000e+01, v9;
	v7 =	vshll.u32 v7, $0x4;
	[dreg:$0x14] =	wrdreg s24  }
0x102: {  	s29 =	sor.u32 $0x40, s14;
	v7 =	vor.u32 v0, v7;
	v17 =	vmul.f32 $6.400000000e+01, v17;
	v10 =	vld.idx.msk [tilespmem:v10+s3+$0x0], $0xffff;
	[dreg:$0x13] =	wrdreg s26  }
0x103: {  	v9 =	vadd.f32 $1.258291200e+07, v9;
	v7 =	vand.u32 $0x7FFF, v7;
	v16 =	vmul.f32 $6.400000000e+01, v16;
	v12 =	vld.idx.msk [tilespmem:v12+s3+$0x0], $0xffff;
	[dreg:$0x1b] =	wrdreg s29  }
0x104: {  	v17 =	vadd.f32 $1.258291200e+07, v17;
	v14 =	vadd.f32 $1.258291200e+07, v14;
	v19 =	vld.idx.msk [tilespmem:v11+s3+$0x0], $0xffff;
	[tilespmem:v1+s4+$0x0 ss:$0x1] =	vst.idx.msk $0xffff, v3  }
0x105: {  	v9 =	vshll.u32 v9, $0x4;
	s12 =	sor.u32 $0x1C50, s14;
	s15 =	sor.u32 $0x450, s14;
	[tilespmem:v1+s10+$0x0 ss:$0x1] =	vst.idx.msk $0xffff, v4;
	v4 =	vadd.f32 $1.258291200e+07, v16;
	v16 =	vld.idx.msk [tilespmem:v5+s3+$0x0], $0xffff  }
0x106: {  	v9 =	vor.u32 v0, v9;
	v11 =	vshll.u32 v14, $0x4;
	v14 =	vshll.u32 v17, $0x4;
	v17 =	vld.idx.msk [tilespmem:v2+s12+$0x0 ss:$0x1], $0xffff;
	[dreg:$0xf] =	wrdreg s15  }
0x107: {  	v9 =	vand.u32 $0x7FFF, v9;
	s20 =	sor.u32 $0x850, s14;
	[tilespmem:v1+s9+$0x0 ss:$0x1] =	vst.idx.msk $0xffff, v10  }
0x108: {  	s21 =	sor.u32 $0xC50, s14;
	v7 =	vld.idx.msk [tilespmem:v7+s3+$0x0], $0xffff;
	[dreg:$0xe] =	wrdreg s20  }
0x109: {  	v15 =	vor.u32 v0, v15;
	v6 =	vmul.f32 $6.400000000e+01, v6;
	s24 =	sor.u32 $0x1050, s14;
	[dreg:$0xd] =	wrdreg s21  }
0x10a: {  	v15 =	vand.u32 $0x7FFF, v15;
	[dreg:$0xc] =	wrdreg s24  }
0x10b: {  	v6 =	vadd.f32 $1.258291200e+07, v6;
	[tilespmem:v1+s28+$0x0 ss:$0x1] =	vst.idx.msk $0xffff, v12;
	s28 =	sor.u32 $0x1450, s14  }
0x10c: {  	s29 =	sor.u32 $0x1850, s14;
	v3 =	vor.u32 v0, v11;
	v11 =	vld.idx.msk [tilespmem:v9+s3+$0x0], $0xffff;
	[dreg:$0xa] =	wrdreg s28  }
0x10d: {  	s8 =	sor.u32 $0x70, s1;
	s30 =	sor.u32 $0x440, s14;
	v14 =	vor.u32 v0, v14;
	v6 =	vshll.u32 v6, $0x4;
	[dreg:$0x9] =	wrdreg s29  }
0x10e: {  	s2 =	sor.u32 $0x1040, s14;
	s10 =	smov.u32 s30;
	v9 =	vor.u32 v0, v6;
	v6 =	vand.u32 $0x7FFF, v14;
	[tilespmem:v1+s23+$0x0 ss:$0x1] =	vst.idx.msk $0xffff, v19;
	v14 =	vld.idx.msk [tilespmem:v2+s30+$0x0 ss:$0x1], $0xffff;
	s30 =	sor.u32 $0x1060, s14  }
0x10f: {  	s0 =	simm.s32 $0x4000;
	s4 =	sor.u32 $0x1460, s14;
	v10 =	vld.idx.msk [tilespmem:v15+s3+$0x0], $0xffff;
	[dreg:$0x1f] =	wrdreg s30  }
0x110: {  	s5 =	sor.u32 $0x840, s14;
	s13 =	sor.u32 $0xC60, s14;
	[smem:$0x7F8] =	sst s4  }
0x111: {  	s31 =	smov.u32 s5;
	s1 =	sor.u32 $0x50, s14;
	s9 =	sor.u32 $0x470, s14;
	[tilespmem:v1+s25+$0x0 ss:$0x1] =	vst.idx.msk $0xffff, v16  }
0x112: {  	s11 =	smov.u32 s17;
	s17 =	sor.u32 $0x1860, s14;
	v15 =	vld.idx.msk [tilespmem:v2+s5+$0x0 ss:$0x1], $0xffff;
	[dreg:$0x16] =	wrdreg s9  }
0x113: {  	s16 =	simm.s32 $0x400;
	v13 =	vmul.f32 $6.400000000e+01, v13;
	s20 =	sor.u32 $0x870, s14;
	[dreg:$0x1e] =	wrdreg s17  }
0x114: {  	s7 =	sor.u32 $0xC40, s14;
	s18 =	sor.u32 $0x1840, s14;
	v5 =	vand.u32 $0x7FFF, v3;
	v3 =	vmul.f32 $6.400000000e+01, v8;
	v8 =	vmul.f32 $6.400000000e+01, v18;
	[dreg:$0x1a] =	wrdreg s20  }
0x115: {  	s26 =	sor.u32 $0x1440, s14;
	v13 =	vadd.f32 $1.258291200e+07, v13;
	s15 =	sor.u32 $0x860, s14;
	v4 =	vshll.u32 v4, $0x4;
	s25 =	sor.u32 $0xC70, s14;
	[tilespmem:v1+s6+$0x0 ss:$0x1] =	vst.idx.msk $0xffff, v7  }
0x116: {  	s24 =	sor.u32 $0x60, s14;
	v18 =	vadd.f32 $1.258291200e+07, v3;
	v8 =	vadd.f32 $1.258291200e+07, v8;
	v12 =	vor.u32 v0, v4;
	s28 =	sor.u32 $0x1070, s14;
	v16 =	vld.idx.msk [tilespmem:v2+s7+$0x0 ss:$0x1], $0xffff;
	[dreg:$0x11] =	wrdreg s25  }
0x117: {  	s21 =	sor.u32 $0x460, s14;
	v4 =	vand.u32 $0x7FFF, v9;
	v3 =	vand.u32 $0x7FFF, v12;
	v9 =	vshll.u32 v13, $0x4;
	s29 =	sor.u32 $0x1470, s14;
	[dreg:$0x15] =	wrdreg s28  }
0x118: {  	s23 =	sor.u32 $0x70, s14;
	v12 =	vmul.f32 $6.400000000e+01, v17;
	v17 =	vshll.u32 v8, $0x4;
	s30 =	sor.u32 $0x1870, s14;
	v7 =	vshll.u32 v18, $0x4;
	[dreg:$0x18] =	wrdreg s29  }
0x119: {  	v8 =	vor.u32 v0, v9;
	s5 =	simm.s32 $0x80;
	s17 =	smov.u32 s7;
	v9 =	vor.u32 v0, v7;
	v7 =	vor.u32 v0, v17;
	v13 =	vld.idx.msk [tilespmem:v2+s2+$0x0 ss:$0x1], $0xffff;
	[dreg:$0x17] =	wrdreg s30  }
.LBB2_3:
0x11a: {  	[smem:$0x7E0] =	sst s1  }
0x11b: {  	[smem:$0x7E1] =	sst s21  }
0x11c: {  	[dreg:$0x1c] =	wrdreg s5  }
0x11d: {  	[dreg:$0x19] =	wrdreg s0  }
0x11e: {  	[dreg:$0x12] =	wrdreg s23  }
0x11f: {  	[smem:$0x7EC] =	sst s8  }
0x120: {  	s4 =	sand.u32 $0x2000, s0;
	s0 =	rddreg [dreg:$0x13]  }
0x121: {  	s20 =	rddreg [dreg:$0xb]  }
0x122: {  	s6 =	sand.u32 $0x380, s5;
	s16 =	sadd.s32 $0x400, s16;
	s5 =	rddreg [dreg:$0x1f]  }
0x123: {  	s7 =	smov.u32 s8;
	[dreg:$0x1d] =	wrdreg s16;
	s8 =	sor.u32 s6, s4  }
0x124: {  	[dreg:$0xb] =	wrdreg s20;
	s29 =	sor.u32 $0x10, s8  }
0x125: {  	[smem:$0x7D8] =	sst s29  }
0x126: {  	s30 =	sor.u32 $0x20, s8;
	s29 =	rddreg [dreg:$0x14]  }
0x127: {  	s9 =	sor.u32 $0x1410, s8;
	[smem:$0x7DF] =	sst s30  }
0x128: {  	[smem:$0x7D6] =	sst s9;
	s30 =	sor.u32 $0x1810, s8  }
0x129: {  	s9 =	sor.u32 $0x420, s8;
	[smem:$0x7D7] =	sst s30  }
0x12a: {  	[smem:$0x7D9] =	sst s9;
	s30 =	sor.u32 $0x820, s8  }
0x12b: {  	s9 =	sor.u32 $0xC20, s8;
	[smem:$0x7DA] =	sst s30  }
0x12c: {  	v17 =	vld.idx.msk [tilespmem:v2+s26+$0x0 ss:$0x1], $0xffff;
	[smem:$0x7DB] =	sst s9;
	s30 =	sor.u32 $0x1020, s8  }
0x12d: {  	v5 =	vld.idx.msk [tilespmem:v5+s3+$0x0], $0xffff;
	s9 =	sor.u32 $0x1420, s8;
	[smem:$0x7DC] =	sst s30  }
0x12e: {  	s1 =	smov.u32 s11;
	v6 =	vld.idx.msk [tilespmem:v6+s3+$0x0], $0xffff;
	[tilespmem:v1+s19+$0x0 ss:$0x1] =	vst.idx.msk $0xffff, v10;
	[smem:$0x7DD] =	sst s9;
	s30 =	sor.u32 $0x1820, s8  }
0x12f: {  	s23 =	sor.u32 $0x1C00, s8;
	v3 =	vld.idx.msk [tilespmem:v3+s3+$0x0], $0xffff;
	s9 =	sor.u32 $0x30, s8;
	[smem:$0x7DE] =	sst s30  }
0x130: {  	s4 =	sor.u32 $0x400, s8;
	v18 =	vld.idx.msk [tilespmem:v2+s23+$0x0 ss:$0x1], $0xffff;
	[smem:$0x7E9] =	sst s9;
	s30 =	sor.u32 $0x430, s8  }
0x131: {  	s25 =	sor.u32 $0xC00, s8;
	v19 =	vld.idx.msk [tilespmem:v2+s4+$0x0 ss:$0x1], $0xffff;
	s9 =	sor.u32 $0x830, s8;
	[smem:$0x7E3] =	sst s30  }
0x132: {  	s21 =	sor.u32 $0x1000, s8;
	v21 =	vld.idx.msk [tilespmem:v2+s25+$0x0 ss:$0x1], $0xffff;
	[tilespmem:v1+s22+$0x0 ss:$0x1] =	vst.idx.msk $0xffff, v11;
	v11 =	vadd.f32 $1.258291200e+07, v12;
	[smem:$0x7E4] =	sst s9;
	s30 =	sor.u32 $0xC30, s8  }
0x133: {  	s11 =	sor.u32 $0x1400, s8;
	v22 =	vld.idx.msk [tilespmem:v2+s21+$0x0 ss:$0x1], $0xffff;
	s9 =	sor.u32 $0x1030, s8;
	[smem:$0x7E5] =	sst s30  }
0x134: {  	v23 =	vld.idx.msk [tilespmem:v2+s11+$0x0 ss:$0x1], $0xffff;
	v11 =	vshll.u32 v11, $0x4;
	[smem:$0x7E6] =	sst s9;
	s30 =	sor.u32 $0x1430, s8  }
0x135: {  	v8 =	vand.u32 $0x7FFF, v8;
	v9 =	vand.u32 $0x7FFF, v9;
	v12 =	vld.idx.msk [tilespmem:v2+s8+$0x0 ss:$0x1], $0xffff;
	s22 =	sor.u32 $0x800, s8;
	v11 =	vor.u32 v0, v11;
	s9 =	sor.u32 $0x1830, s8;
	[smem:$0x7E7] =	sst s30  }
0x136: {  	v14 =	vmul.f32 $6.400000000e+01, v14;
	v15 =	vmul.f32 $6.400000000e+01, v15;
	v20 =	vld.idx.msk [tilespmem:v2+s22+$0x0 ss:$0x1], $0xffff;
	v11 =	vand.u32 $0x7FFF, v11;
	[smem:$0x7E8] =	sst s9  }
0x137: {  	v7 =	vand.u32 $0x7FFF, v7;
	p3 =	slt.u32 s16, $0x3C00;
	s16 =	sor.u32 $0x1800, s8;
	v16 =	vmul.f32 $6.400000000e+01, v16;
	v13 =	vmul.f32 $6.400000000e+01, v13;
	v10 =	vld.idx.msk [tilespmem:v2+s18+$0x0 ss:$0x1], $0xffff;
	s9 =	rddreg [dreg:$0x6]  }
0x138: {  	v17 =	vmul.f32 $6.400000000e+01, v17;
	v24 =	vld.idx.msk [tilespmem:v2+s16+$0x0 ss:$0x1], $0xffff;
	v14 =	vadd.f32 $1.258291200e+07, v14;
	v18 =	vmul.f32 $6.400000000e+01, v18;
	[tilespmem:v1+s9+$0x0 ss:$0x1] =	vst.idx.msk $0xffff, v5;
	s9 =	smov.u32 s5;
	s5 =	sld [smem:$0x7F8]  }
0x139: {  	v4 =	vld.idx.msk [tilespmem:v4+s3+$0x0], $0xffff;
	v16 =	vadd.f32 $1.258291200e+07, v16;
	v19 =	vmul.f32 $6.400000000e+01, v19;
	v21 =	vmul.f32 $6.400000000e+01, v21;
	[dreg:$0x6] =	wrdreg s9  }
0x13a: {  	v22 =	vmul.f32 $6.400000000e+01, v22;
	v23 =	vmul.f32 $6.400000000e+01, v23;
	v18 =	vadd.f32 $1.258291200e+07, v18;
	v50 =	vld.idx.msk [tilespmem:v2+s20+$0x0 ss:$0x1], $0xffff;
	s20 =	rddreg [dreg:$0x10]  }
0x13b: {  	v12 =	vmul.f32 $6.400000000e+01, v12;
	v20 =	vmul.f32 $6.400000000e+01, v20;
	v19 =	vadd.f32 $1.258291200e+07, v19;
	s9 =	rddreg [dreg:$0x1e];
	v11 =	vld.idx.msk [tilespmem:v11+s3+$0x0], $0xffff;
	[tilespmem:v1+s20+$0x0 ss:$0x1] =	vst.idx.msk $0xffff, v6;
	s20 =	smov.u32 s5  }
0x13c: {  	v8 =	vld.idx.msk [tilespmem:v8+s3+$0x0], $0xffff;
	v21 =	vadd.f32 $1.258291200e+07, v21;
	v22 =	vadd.f32 $1.258291200e+07, v22;
	v18 =	vshll.u32 v18, $0x4;
	[dreg:$0x10] =	wrdreg s20  }
0x13d: {  	v9 =	vld.idx.msk [tilespmem:v9+s3+$0x0], $0xffff;
	v46 =	vadd.f32 $1.258291200e+07, v23;
	v47 =	vmul.f32 $6.400000000e+01, v24;
	v18 =	vor.u32 v0, v18;
	s20 =	rddreg [dreg:$0x8]  }
0x13e: {  	v7 =	vld.idx.msk [tilespmem:v7+s3+$0x0], $0xffff;
	s30 =	rddreg [dreg:$0x1b];
	v12 =	vadd.f32 $1.258291200e+07, v12;
	v21 =	vshll.u32 v21, $0x4;
	v18 =	vand.u32 $0x7FFF, v18;
	[tilespmem:v1+s20+$0x0 ss:$0x1] =	vst.idx.msk $0xffff, v4;
	s20 =	smov.u32 s9  }
0x13f: {  	v25 =	vld.idx.msk [tilespmem:v2+s30+$0x0 ss:$0x1], $0xffff;
	v20 =	vadd.f32 $1.258291200e+07, v20;
	v19 =	vshll.u32 v19, $0x4;
	v5 =	vor.u32 v0, v21;
	[dreg:$0x8] =	wrdreg s20  }
0x140: {  	v12 =	vshll.u32 v12, $0x4;
	v19 =	vor.u32 v0, v19;
	v5 =	vand.u32 $0x7FFF, v5;
	v51 =	vld.idx.msk [tilespmem:v2+s29+$0x0 ss:$0x1], $0xffff;
	s20 =	rddreg [dreg:$0x7];
	[tilespmem:v1+s12+$0x0 ss:$0x1] =	vst.idx.msk $0xffff, v11  }
0x141: {  	v22 =	vshll.u32 v22, $0x4;
	v12 =	vor.u32 v0, v12;
	v19 =	vand.u32 $0x7FFF, v19;
	s12 =	sor.u32 $0x1C60, s14;
	[tilespmem:v1+s20+$0x0 ss:$0x1] =	vst.idx.msk $0xffff, v3;
	v3 =	vld.idx.msk [tilespmem:v2+s0+$0x0 ss:$0x1], $0xffff  }
0x142: {  	v49 =	vor.u32 v0, v22;
	v12 =	vand.u32 $0x7FFF, v12;
	v11 =	vshll.u32 v20, $0x4;
	v48 =	vld.idx.msk [tilespmem:v2+s12+$0x0 ss:$0x1], $0xffff  }
0x143: {  	v23 =	vadd.f32 $1.258291200e+07, v47;
	v4 =	vand.u32 $0x7FFF, v49;
	v11 =	vor.u32 v0, v11;
	v18 =	vld.idx.msk [tilespmem:v18+s3+$0x0], $0xffff  }
0x144: {  	v13 =	vadd.f32 $1.258291200e+07, v13;
	v20 =	vshll.u32 v46, $0x4;
	s20 =	rddreg [dreg:$0x4];
	v54 =	vld.idx.msk [tilespmem:v2+s7+$0x0 ss:$0x1], $0xffff;
	v6 =	vand.u32 $0x7FFF, v11  }
0x145: {  	v17 =	vadd.f32 $1.258291200e+07, v17;
	v23 =	vshll.u32 v23, $0x4;
	v20 =	vor.u32 v0, v20;
	[tilespmem:v1+s20+$0x0 ss:$0x1] =	vst.idx.msk $0xffff, v8;
	v5 =	vld.idx.msk [tilespmem:v5+s3+$0x0], $0xffff  }
0x146: {  	v14 =	vshll.u32 v14, $0x4;
	v11 =	vor.u32 v0, v23;
	v20 =	vand.u32 $0x7FFF, v20;
	v19 =	vld.idx.msk [tilespmem:v19+s3+$0x0], $0xffff  }
0x147: {  	v16 =	vshll.u32 v16, $0x4;
	v13 =	vshll.u32 v13, $0x4;
	v12 =	vld.idx.msk [tilespmem:v12+s3+$0x0], $0xffff;
	v11 =	vand.u32 $0x7FFF, v11  }
0x148: {  	v16 =	vor.u32 v0, v16;
	v10 =	vmul.f32 $6.400000000e+01, v10;
	v8 =	vor.u32 v0, v14;
	v4 =	vld.idx.msk [tilespmem:v4+s3+$0x0], $0xffff  }
0x149: {  	v17 =	vshll.u32 v17, $0x4;
	v13 =	vor.u32 v0, v13;
	s5 =	sor.u32 $0x1C10, s8;
	v8 =	vand.u32 $0x7FFF, v8;
	[tilespmem:v1+s23+$0x0 ss:$0x1] =	vst.idx.msk $0xffff, v18;
	v6 =	vld.idx.msk [tilespmem:v6+s3+$0x0], $0xffff  }
0x14a: {  	v17 =	vor.u32 v0, v17;
	v13 =	vand.u32 $0x7FFF, v13;
	v10 =	vadd.f32 $1.258291200e+07, v10;
	s23 =	rddreg [dreg:$0x5];
	v18 =	vld.idx.msk [tilespmem:v2+s5+$0x0 ss:$0x1], $0xffff;
	[tilespmem:v1+s1+$0x0 ss:$0x1] =	vst.idx.msk $0xffff, v9  }
0x14b: {  	v15 =	vadd.f32 $1.258291200e+07, v15;
	v9 =	vand.u32 $0x7FFF, v16;
	v16 =	vand.u32 $0x7FFF, v17;
	v17 =	vld.idx.msk [tilespmem:v20+s3+$0x0], $0xffff;
	[tilespmem:v1+s23+$0x0 ss:$0x1] =	vst.idx.msk $0xffff, v7  }
0x14c: {  	[smem:$0x7E2] =	sst s15;
	s15 =	sor.u32 $0x410, s8;
	v10 =	vshll.u32 v10, $0x4;
	v52 =	vmul.f32 $6.400000000e+01, v48;
	[tilespmem:v1+s4+$0x0 ss:$0x1] =	vst.idx.msk $0xffff, v19;
	v11 =	vld.idx.msk [tilespmem:v11+s3+$0x0], $0xffff  }
0x14d: {  	v15 =	vshll.u32 v15, $0x4;
	v10 =	vor.u32 v0, v10;
	v53 =	vmul.f32 $6.400000000e+01, v25;
	v57 =	vld.idx.msk [tilespmem:v2+s15+$0x0 ss:$0x1], $0xffff;
	[tilespmem:v1+s25+$0x0 ss:$0x1] =	vst.idx.msk $0xffff, v5  }
0x14e: {  	v14 =	vor.u32 v0, v15;
	v7 =	vmul.f32 $6.400000000e+01, v50;
	v15 =	vadd.f32 $1.258291200e+07, v52;
	[tilespmem:v1+s21+$0x0 ss:$0x1] =	vst.idx.msk $0xffff, v4;
	v8 =	vld.idx.msk [tilespmem:v8+s3+$0x0], $0xffff  }
0x14f: {  	s28 =	sor.u32 $0x1010, s8;
	v10 =	vand.u32 $0x7FFF, v10;
	v3 =	vmul.f32 $6.400000000e+01, v3;
	v19 =	vmul.f32 $6.400000000e+01, v51;
	v13 =	vld.idx.msk [tilespmem:v13+s3+$0x0], $0xffff;
	[tilespmem:v1+s22+$0x0 ss:$0x1] =	vst.idx.msk $0xffff, v6  }
0x150: {  	v7 =	vadd.f32 $1.258291200e+07, v7;
	v15 =	vshll.u32 v15, $0x4;
	v6 =	vmul.f32 $6.400000000e+01, v54;
	[tilespmem:v1+s11+$0x0 ss:$0x1] =	vst.idx.msk $0xffff, v17;
	v17 =	vld.idx.msk [tilespmem:v2+s28+$0x0 ss:$0x1], $0xffff  }
0x151: {  	s6 =	sor.u32 $0x810, s8;
	s21 =	sld [smem:$0x7D7];
	v19 =	vadd.f32 $1.258291200e+07, v19;
	v15 =	vor.u32 v0, v15;
	v18 =	vmul.f32 $6.400000000e+01, v18;
	v9 =	vld.idx.msk [tilespmem:v9+s3+$0x0], $0xffff  }
0x152: {  	s19 =	sor.u32 $0xC10, s8;
	v15 =	vand.u32 $0x7FFF, v15;
	v5 =	vadd.f32 $1.258291200e+07, v6;
	v6 =	vshll.u32 v7, $0x4;
	v7 =	vld.idx.msk [tilespmem:v2+s6+$0x0 ss:$0x1], $0xffff  }
0x153: {  	v3 =	vadd.f32 $1.258291200e+07, v3;
	[tilespmem:v1+s16+$0x0 ss:$0x1] =	vst.idx.msk $0xffff, v11;
	s16 =	sld [smem:$0x7D6];
	v4 =	vadd.f32 $1.258291200e+07, v18;
	v18 =	vshll.u32 v19, $0x4;
	v19 =	vld.idx.msk [tilespmem:v2+s19+$0x0 ss:$0x1], $0xffff  }
0x154: {  	v55 =	vadd.f32 $1.258291200e+07, v53;
	v58 =	vld.idx.msk [tilespmem:v2+s21+$0x0 ss:$0x1], $0xffff  }
0x155: {  	v14 =	vand.u32 $0x7FFF, v14;
	s23 =	sld [smem:$0x7D8];
	v3 =	vshll.u32 v3, $0x4;
	[tilespmem:v1+s10+$0x0 ss:$0x1] =	vst.idx.msk $0xffff, v8;
	v8 =	vld.idx.msk [tilespmem:v10+s3+$0x0], $0xffff;
	v6 =	vor.u32 v0, v6  }
0x156: {  	[tilespmem:v1+s8+$0x0 ss:$0x1] =	vst.idx.msk $0xffff, v12;
	v5 =	vshll.u32 v5, $0x4;
	v11 =	vshll.u32 v4, $0x4;
	v4 =	vand.u32 $0x7FFF, v6;
	v12 =	vld.idx.msk [tilespmem:v2+s16+$0x0 ss:$0x1], $0xffff  }
0x157: {  	v6 =	vor.u32 v0, v18;
	v18 =	vor.u32 v0, v3;
	v15 =	vld.idx.msk [tilespmem:v15+s3+$0x0], $0xffff;
	v11 =	vor.u32 v0, v11  }
0x158: {  	v3 =	vor.u32 v0, v5;
	v5 =	vand.u32 $0x7FFF, v18;
	v18 =	vld.idx.msk [tilespmem:v2+s23+$0x0 ss:$0x1], $0xffff;
	v17 =	vmul.f32 $6.400000000e+01, v17  }
0x159: {  	v21 =	vshll.u32 v55, $0x4;
	[tilespmem:v1+s2+$0x0 ss:$0x1] =	vst.idx.msk $0xffff, v13;
	v11 =	vand.u32 $0x7FFF, v11;
	v7 =	vmul.f32 $6.400000000e+01, v7  }
0x15a: {  	v21 =	vor.u32 v0, v21;
	v14 =	vld.idx.msk [tilespmem:v14+s3+$0x0], $0xffff;
	[tilespmem:v1+s17+$0x0 ss:$0x1] =	vst.idx.msk $0xffff, v9;
	v19 =	vmul.f32 $6.400000000e+01, v19;
	v17 =	vadd.f32 $1.258291200e+07, v17  }
0x15b: {  	v56 =	vand.u32 $0x7FFF, v21;
	v16 =	vld.idx.msk [tilespmem:v16+s3+$0x0], $0xffff;
	s17 =	rddreg [dreg:$0xc];
	v22 =	vmul.f32 $6.400000000e+01, v58;
	[tilespmem:v1+s18+$0x0 ss:$0x1] =	vst.idx.msk $0xffff, v8;
	v7 =	vadd.f32 $1.258291200e+07, v7  }
0x15c: {  	s22 =	sor.u32 $0x1C70, s14;
	v8 =	vld.idx.msk [tilespmem:v2+s17+$0x0 ss:$0x1], $0xffff;
	v19 =	vadd.f32 $1.258291200e+07, v19;
	v12 =	vmul.f32 $6.400000000e+01, v12;
	v17 =	vshll.u32 v17, $0x4;
	[tilespmem:v1+s12+$0x0 ss:$0x1] =	vst.idx.msk $0xffff, v15  }
0x15d: {  	v22 =	vadd.f32 $1.258291200e+07, v22;
	v15 =	vmul.f32 $6.400000000e+01, v57;
	v18 =	vmul.f32 $6.400000000e+01, v18;
	v59 =	vld.idx.msk [tilespmem:v2+s22+$0x0 ss:$0x1], $0xffff  }
0x15e: {  	v17 =	vor.u32 v0, v17;
	v11 =	vld.idx.msk [tilespmem:v11+s3+$0x0], $0xffff;
	v7 =	vshll.u32 v7, $0x4;
	v19 =	vshll.u32 v19, $0x4  }
0x15f: {  	v12 =	vadd.f32 $1.258291200e+07, v12;
	v60 =	vshll.u32 v22, $0x4;
	v13 =	vand.u32 $0x7FFF, v17  }
0x160: {  	[tilespmem:v1+s31+$0x0 ss:$0x1] =	vst.idx.msk $0xffff, v14;
	v18 =	vadd.f32 $1.258291200e+07, v18;
	v7 =	vor.u32 v0, v7;
	v14 =	vor.u32 v0, v19  }
0x161: {  	v20 =	vld.idx.msk [tilespmem:v56+s3+$0x0], $0xffff;
	s14 =	rddreg [dreg:$0xd];
	v19 =	vor.u32 v0, v60;
	v8 =	vmul.f32 $6.400000000e+01, v8;
	v7 =	vand.u32 $0x7FFF, v7  }
0x162: {  	s7 =	rddreg [dreg:$0xe];
	[tilespmem:v1+s26+$0x0 ss:$0x1] =	vst.idx.msk $0xffff, v16;
	v16 =	vld.idx.msk [tilespmem:v2+s14+$0x0 ss:$0x1], $0xffff;
	v12 =	vshll.u32 v12, $0x4;
	v14 =	vand.u32 $0x7FFF, v14;
	v21 =	vmul.f32 $6.400000000e+01, v59  }
0x163: {  	s25 =	sor.u32 $0x1C20, s8;
	v17 =	vand.u32 $0x7FFF, v19;
	v19 =	vld.idx.msk [tilespmem:v2+s7+$0x0 ss:$0x1], $0xffff;
	v12 =	vor.u32 v0, v12;
	v8 =	vadd.f32 $1.258291200e+07, v8;
	[tilespmem:v1+s5+$0x0 ss:$0x1] =	vst.idx.msk $0xffff, v11  }
0x164: {  	v12 =	vand.u32 $0x7FFF, v12;
	v11 =	vshll.u32 v18, $0x4;
	v18 =	vld.idx.msk [tilespmem:v2+s25+$0x0 ss:$0x1], $0xffff;
	v10 =	vadd.f32 $1.258291200e+07, v21  }
0x165: {  	v13 =	vld.idx.msk [tilespmem:v13+s3+$0x0], $0xffff;
	v8 =	vshll.u32 v8, $0x4  }
0x166: {  	v15 =	vadd.f32 $1.258291200e+07, v15;
	v8 =	vor.u32 v0, v8;
	v7 =	vld.idx.msk [tilespmem:v7+s3+$0x0], $0xffff;
	v10 =	vshll.u32 v10, $0x4  }
0x167: {  	v14 =	vld.idx.msk [tilespmem:v14+s3+$0x0], $0xffff;
	v8 =	vand.u32 $0x7FFF, v8;
	v10 =	vor.u32 v0, v10  }
0x168: {  	[dreg:$0x13] =	wrdreg s0;
	v15 =	vshll.u32 v15, $0x4;
	v17 =	vld.idx.msk [tilespmem:v17+s3+$0x0], $0xffff;
	v9 =	vand.u32 $0x7FFF, v10  }
0x169: {  	s9 =	smov.u32 s24;
	s1 =	rddreg [dreg:$0xf];
	v15 =	vor.u32 v0, v15;
	v12 =	vld.idx.msk [tilespmem:v12+s3+$0x0], $0xffff;
	v18 =	vmul.f32 $6.400000000e+01, v18  }
0x16a: {  	[dreg:$0x7] =	wrdreg s9;
	[tilespmem:v1+s28+$0x0 ss:$0x1] =	vst.idx.msk $0xffff, v13;
	v10 =	vand.u32 $0x7FFF, v15;
	v15 =	vld.idx.msk [tilespmem:v2+s1+$0x0 ss:$0x1], $0xffff  }
0x16b: {  	s2 =	sld [smem:$0x7DB];
	v4 =	vld.idx.msk [tilespmem:v4+s3+$0x0], $0xffff;
	v18 =	vadd.f32 $1.258291200e+07, v18  }
0x16c: {  	s9 =	rddreg [dreg:$0x1a];
	v11 =	vor.u32 v0, v11;
	v8 =	vld.idx.msk [tilespmem:v8+s3+$0x0], $0xffff  }
0x16d: {  	s20 =	smov.u32 s9;
	s9 =	smov.u32 s15;
	s15 =	sld [smem:$0x7DE];
	v11 =	vand.u32 $0x7FFF, v11;
	[tilespmem:v1+s19+$0x0 ss:$0x1] =	vst.idx.msk $0xffff, v14;
	v18 =	vshll.u32 v18, $0x4;
	v9 =	vld.idx.msk [tilespmem:v9+s3+$0x0], $0xffff  }
0x16e: {  	[tilespmem:v1+s6+$0x0 ss:$0x1] =	vst.idx.msk $0xffff, v7;
	s6 =	sld [smem:$0x7DC];
	v14 =	vld.idx.msk [tilespmem:v2+s2+$0x0 ss:$0x1], $0xffff;
	v18 =	vor.u32 v0, v18  }
0x16f: {  	s24 =	rddreg [dreg:$0x16];
	[tilespmem:v1+s21+$0x0 ss:$0x1] =	vst.idx.msk $0xffff, v17;
	v10 =	vld.idx.msk [tilespmem:v10+s3+$0x0], $0xffff;
	v15 =	vmul.f32 $6.400000000e+01, v15;
	v18 =	vand.u32 $0x7FFF, v18  }
0x170: {  	s0 =	smov.u32 s24;
	s24 =	rddreg [dreg:$0x11];
	v19 =	vmul.f32 $6.400000000e+01, v19;
	v17 =	vld.idx.msk [tilespmem:v2+s15+$0x0 ss:$0x1], $0xffff  }
0x171: {  	[dreg:$0x4] =	wrdreg s0;
	[tilespmem:v1+s30+$0x0 ss:$0x1] =	vst.idx.msk $0xffff, v20;
	v16 =	vmul.f32 $6.400000000e+01, v16;
	v13 =	vld.idx.msk [tilespmem:v2+s6+$0x0 ss:$0x1], $0xffff;
	v15 =	vadd.f32 $1.258291200e+07, v15  }
0x172: {  	s0 =	smov.u32 s24;
	s24 =	sld [smem:$0x7DA];
	v19 =	vadd.f32 $1.258291200e+07, v19;
	[tilespmem:v1+s22+$0x0 ss:$0x1] =	vst.idx.msk $0xffff, v9;
	v9 =	vld.idx.msk [tilespmem:v11+s3+$0x0], $0xffff  }
0x173: {  	s18 =	sld [smem:$0x7D9];
	v16 =	vadd.f32 $1.258291200e+07, v16;
	v5 =	vld.idx.msk [tilespmem:v5+s3+$0x0], $0xffff;
	[tilespmem:v1+s16+$0x0 ss:$0x1] =	vst.idx.msk $0xffff, v12;
	v15 =	vshll.u32 v15, $0x4  }
0x174: {  	s10 =	sld [smem:$0x7DD];
	[tilespmem:v1+s9+$0x0 ss:$0x1] =	vst.idx.msk $0xffff, v10;
	v10 =	vor.u32 v0, v15;
	v11 =	vshll.u32 v19, $0x4;
	v12 =	vld.idx.msk [tilespmem:v18+s3+$0x0], $0xffff  }
0x175: {  	s19 =	sld [smem:$0x7DF];
	v7 =	vand.u32 $0x7FFF, v10;
	v10 =	vor.u32 v0, v11;
	v11 =	vshll.u32 v16, $0x4;
	v16 =	vld.idx.msk [tilespmem:v2+s24+$0x0 ss:$0x1], $0xffff  }
0x176: {  	v14 =	vmul.f32 $6.400000000e+01, v14;
	v17 =	vmul.f32 $6.400000000e+01, v17;
	v15 =	vld.idx.msk [tilespmem:v2+s18+$0x0 ss:$0x1], $0xffff  }
0x177: {  	v13 =	vmul.f32 $6.400000000e+01, v13;
	v10 =	vand.u32 $0x7FFF, v10;
	v11 =	vor.u32 v0, v11;
	[tilespmem:v1+s23+$0x0 ss:$0x1] =	vst.idx.msk $0xffff, v9;
	v9 =	vld.idx.msk [tilespmem:v2+s10+$0x0 ss:$0x1], $0xffff  }
0x178: {  	s21 =	rddreg [dreg:$0x9];
	v17 =	vadd.f32 $1.258291200e+07, v17;
	v11 =	vand.u32 $0x7FFF, v11;
	v18 =	vld.idx.msk [tilespmem:v2+s19+$0x0 ss:$0x1], $0xffff  }
0x179: {  	v6 =	vand.u32 $0x7FFF, v6;
	s26 =	rddreg [dreg:$0xb];
	v14 =	vadd.f32 $1.258291200e+07, v14;
	v13 =	vadd.f32 $1.258291200e+07, v13;
	[tilespmem:v1+s25+$0x0 ss:$0x1] =	vst.idx.msk $0xffff, v12;
	v12 =	vld.idx.msk [tilespmem:v2+s21+$0x0 ss:$0x1], $0xffff  }
0x17a: {  	s31 =	sld [smem:$0x7E5];
	s22 =	sor.u32 $0x1C30, s8;
	v17 =	vshll.u32 v17, $0x4;
	v16 =	vmul.f32 $6.400000000e+01, v16;
	v7 =	vld.idx.msk [tilespmem:v7+s3+$0x0], $0xffff  }
0x17b: {  	s12 =	rddreg [dreg:$0x1c];
	v14 =	vshll.u32 v14, $0x4;
	v17 =	vor.u32 v0, v17;
	v13 =	vshll.u32 v13, $0x4;
	v61 =	vld.idx.msk [tilespmem:v2+s22+$0x0 ss:$0x1], $0xffff  }
0x17c: {  	s16 =	rddreg [dreg:$0xa];
	v13 =	vor.u32 v0, v13;
	v15 =	vmul.f32 $6.400000000e+01, v15;
	v10 =	vld.idx.msk [tilespmem:v10+s3+$0x0], $0xffff;
	v16 =	vadd.f32 $1.258291200e+07, v16  }
0x17d: {  	s9 =	sld [smem:$0x7E0];
	v14 =	vor.u32 v0, v14;
	v17 =	vand.u32 $0x7FFF, v17;
	v13 =	vand.u32 $0x7FFF, v13;
	v11 =	vld.idx.msk [tilespmem:v11+s3+$0x0], $0xffff  }
0x17e: {  	v6 =	vld.idx.msk [tilespmem:v6+s3+$0x0], $0xffff;
	[tilespmem:v1+s17+$0x0 ss:$0x1] =	vst.idx.msk $0xffff, v8;
	s23 =	sld [smem:$0x7E1];
	v15 =	vadd.f32 $1.258291200e+07, v15;
	v16 =	vshll.u32 v16, $0x4;
	v9 =	vmul.f32 $6.400000000e+01, v9  }
0x17f: {  	v19 =	vld.idx.msk [tilespmem:v2+s16+$0x0 ss:$0x1], $0xffff;
	s25 =	sld [smem:$0x7E2];
	v18 =	vmul.f32 $6.400000000e+01, v18;
	v16 =	vor.u32 v0, v16;
	[tilespmem:v1+s1+$0x0 ss:$0x1] =	vst.idx.msk $0xffff, v7;
	v7 =	vand.u32 $0x7FFF, v14  }
0x180: {  	p2 =	por !p2, !p2;
	[tilespmem:v1+s26+$0x0 ss:$0x1] =	vst.idx.msk $0xffff, v4;
	v62 =	vld.idx.msk [tilespmem:v2+s9+$0x0 ss:$0x1], $0xffff;
	v15 =	vshll.u32 v15, $0x4;
	s1 =	rddreg [dreg:$0x18];
	v9 =	vadd.f32 $1.258291200e+07, v9;
	v16 =	vand.u32 $0x7FFF, v16  }
0x181: {  	s28 =	rddreg [dreg:$0x15];
	v15 =	vor.u32 v0, v15;
	v12 =	vmul.f32 $6.400000000e+01, v12;
	v14 =	vld.idx.msk [tilespmem:v2+s23+$0x0 ss:$0x1], $0xffff;
	[tilespmem:v1+s7+$0x0 ss:$0x1] =	vst.idx.msk $0xffff, v10;
	s5 =	smov.u32 s1;
	s1 =	simm.s32 $0x1;
	v18 =	vadd.f32 $1.258291200e+07, v18  }
0x182: {  	s30 =	smov.u32 s28;
	v20 =	vmul.f32 $6.400000000e+01, v61;
	v15 =	vand.u32 $0x7FFF, v15;
	s7 =	rddreg [dreg:$0x13];
	v63 =	vld.idx.msk [tilespmem:v2+s25+$0x0 ss:$0x1], $0xffff;
	[tilespmem:v1+s14+$0x0 ss:$0x1] =	vst.idx.msk $0xffff, v11;
	s1 =	simm.s32 @!p2 $0x0;
	v9 =	vshll.u32 v9, $0x4  }
0x183: {  	[dreg:$0xb] =	wrdreg s30;
	v12 =	vadd.f32 $1.258291200e+07, v12;
	[tilespmem:v1+s7+$0x0 ss:$0x1] =	vst.idx.msk $0xffff, v5;
	v5 =	vld.idx.msk [tilespmem:v13+s3+$0x0], $0xffff;
	s1 =	sshll.u32 s1, $0xD;
	v9 =	vor.u32 v0, v9;
	v18 =	vshll.u32 v18, $0x4  }
0x184: {  	[tilespmem:v1+s29+$0x0 ss:$0x1] =	vst.idx.msk $0xffff, v6;
	s29 =	sld [smem:$0x7E4];
	v20 =	vadd.f32 $1.258291200e+07, v20;
	s14 =	sadd.s32 s1, s12;
	v18 =	vor.u32 v0, v18;
	v9 =	vand.u32 $0x7FFF, v9;
	v6 =	vld.idx.msk [tilespmem:v7+s3+$0x0], $0xffff  }
0x185: {  	[dreg:$0x14] =	wrdreg s5;
	v12 =	vshll.u32 v12, $0x4;
	s5 =	sor.u32 $0x1060, s14;
	v10 =	vand.u32 $0x7FFF, v18;
	v4 =	vld.idx.msk [tilespmem:v16+s3+$0x0], $0xffff  }
0x186: {  	v12 =	vor.u32 v0, v12;
	v18 =	vshll.u32 v20, $0x4;
	v13 =	vmul.f32 $6.400000000e+01, v14;
	v14 =	vld.idx.msk [tilespmem:v17+s3+$0x0], $0xffff;
	[dreg:$0x1f] =	wrdreg s5;
	s5 =	sor.u32 $0x470, s14  }
0x187: {  	v8 =	vmul.f32 $6.400000000e+01, v19;
	v15 =	vld.idx.msk [tilespmem:v15+s3+$0x0], $0xffff;
	v12 =	vand.u32 $0x7FFF, v12;
	v11 =	vor.u32 v0, v18;
	[dreg:$0x16] =	wrdreg s5;
	s5 =	sor.u32 $0x1860, s14  }
0x188: {  	v18 =	vld.idx.msk [tilespmem:v2+s13+$0x0 ss:$0x1], $0xffff;
	[tilespmem:v1+s6+$0x0 ss:$0x1] =	vst.idx.msk $0xffff, v5;
	v11 =	vand.u32 $0x7FFF, v11;
	[dreg:$0x1e] =	wrdreg s5;
	s5 =	sor.u32 $0x870, s14  }
0x189: {  	v8 =	vadd.f32 $1.258291200e+07, v8;
	[dreg:$0x1a] =	wrdreg s5;
	s5 =	sor.u32 $0xC70, s14;
	v9 =	vld.idx.msk [tilespmem:v9+s3+$0x0], $0xffff;
	[tilespmem:v1+s2+$0x0 ss:$0x1] =	vst.idx.msk $0xffff, v6  }
0x18a: {  	v19 =	vmul.f32 $6.400000000e+01, v62;
	[dreg:$0x11] =	wrdreg s5;
	v10 =	vld.idx.msk [tilespmem:v10+s3+$0x0], $0xffff;
	[tilespmem:v1+s24+$0x0 ss:$0x1] =	vst.idx.msk $0xffff, v4  }
0x18b: {  	v8 =	vshll.u32 v8, $0x4;
	s5 =	sor.u32 $0x1070, s14;
	s24 =	sld [smem:$0x7E3];
	v5 =	vld.idx.msk [tilespmem:v2+s31+$0x0 ss:$0x1], $0xffff;
	[tilespmem:v1+s15+$0x0 ss:$0x1] =	vst.idx.msk $0xffff, v14  }
0x18c: {  	v8 =	vor.u32 v0, v8;
	v7 =	vadd.f32 $1.258291200e+07, v19;
	[dreg:$0x15] =	wrdreg s5;
	v12 =	vld.idx.msk [tilespmem:v12+s3+$0x0], $0xffff  }
0x18d: {  	v8 =	vand.u32 $0x7FFF, v8;
	[tilespmem:v1+s18+$0x0 ss:$0x1] =	vst.idx.msk $0xffff, v15;
	v15 =	vmul.f32 $6.400000000e+01, v63;
	s5 =	rddreg [dreg:$0x6];
	v16 =	vmul.f32 $6.400000000e+01, v18;
	v11 =	vld.idx.msk [tilespmem:v11+s3+$0x0], $0xffff  }
0x18e: {  	s30 =	sld [smem:$0x7E6];
	v7 =	vshll.u32 v7, $0x4;
	v4 =	vadd.f32 $1.258291200e+07, v13;
	v18 =	vld.idx.msk [tilespmem:v2+s5+$0x0 ss:$0x1], $0xffff  }
0x18f: {  	[smem:$0x7EA] =	sst s13;
	v7 =	vor.u32 v0, v7;
	v6 =	vadd.f32 $1.258291200e+07, v15;
	v13 =	vld.idx.msk [tilespmem:v2+s24+$0x0 ss:$0x1], $0xffff;
	v15 =	vadd.f32 $1.258291200e+07, v16  }
0x190: {  	[smem:$0x7EB] =	sst s20;
	v7 =	vand.u32 $0x7FFF, v7;
	v16 =	vld.idx.msk [tilespmem:v2+s29+$0x0 ss:$0x1], $0xffff;
	[tilespmem:v1+s10+$0x0 ss:$0x1] =	vst.idx.msk $0xffff, v9  }
0x191: {  	v4 =	vshll.u32 v4, $0x4;
	v9 =	vshll.u32 v15, $0x4;
	v15 =	vld.idx.msk [tilespmem:v2+s30+$0x0 ss:$0x1], $0xffff;
	[tilespmem:v1+s19+$0x0 ss:$0x1] =	vst.idx.msk $0xffff, v10;
	s19 =	sld [smem:$0x7E8]  }
0x192: {  	[dreg:$0x5] =	wrdreg s0;
	s4 =	sor.u32 $0x1C40, s14;
	v4 =	vor.u32 v0, v4;
	v6 =	vshll.u32 v6, $0x4;
	v8 =	vld.idx.msk [tilespmem:v8+s3+$0x0], $0xffff;
	[tilespmem:v1+s22+$0x0 ss:$0x1] =	vst.idx.msk $0xffff, v11  }
0x193: {  	s7 =	sld [smem:$0x7E7];
	v4 =	vand.u32 $0x7FFF, v4;
	v6 =	vor.u32 v0, v6;
	v5 =	vmul.f32 $6.400000000e+01, v5;
	v11 =	vld.idx.msk [tilespmem:v2+s4+$0x0 ss:$0x1], $0xffff  }
0x194: {  	v9 =	vor.u32 v0, v9;
	v6 =	vand.u32 $0x7FFF, v6;
	s22 =	smov.u32 s19;
	v14 =	vld.idx.msk [tilespmem:v2+s19+$0x0 ss:$0x1], $0xffff;
	s19 =	sld [smem:$0x7E9]  }
0x195: {  	s8 =	rddreg [dreg:$0x17];
	s13 =	sor.u32 $0x850, s14;
	v7 =	vld.idx.msk [tilespmem:v7+s3+$0x0], $0xffff;
	v9 =	vand.u32 $0x7FFF, v9;
	v5 =	vadd.f32 $1.258291200e+07, v5  }
0x196: {  	[dreg:$0xe] =	wrdreg s13;
	s5 =	sor.u32 $0x1470, s14;
	v10 =	vld.idx.msk [tilespmem:v2+s7+$0x0 ss:$0x1], $0xffff;
	v13 =	vmul.f32 $6.400000000e+01, v13;
	v16 =	vmul.f32 $6.400000000e+01, v16  }
0x197: {  	v3 =	vand.u32 $0x7FFF, v3;
	[dreg:$0x18] =	wrdreg s5;
	s5 =	sor.u32 $0x1870, s14;
	v5 =	vshll.u32 v5, $0x4;
	v17 =	vld.idx.msk [tilespmem:v2+s19+$0x0 ss:$0x1], $0xffff  }
0x198: {  	s13 =	sor.u32 $0x1450, s14;
	[dreg:$0x17] =	wrdreg s5;
	[tilespmem:v1+s21+$0x0 ss:$0x1] =	vst.idx.msk $0xffff, v12;
	v4 =	vld.idx.msk [tilespmem:v4+s3+$0x0], $0xffff;
	v13 =	vadd.f32 $1.258291200e+07, v13;
	v16 =	vadd.f32 $1.258291200e+07, v16;
	v11 =	vmul.f32 $6.400000000e+01, v11  }
0x199: {  	s21 =	rddreg [dreg:$0x7];
	v15 =	vmul.f32 $6.400000000e+01, v15;
	[tilespmem:v1+s16+$0x0 ss:$0x1] =	vst.idx.msk $0xffff, v8;
	s16 =	smov.u32 s13;
	v5 =	vor.u32 v0, v5;
	v6 =	vld.idx.msk [tilespmem:v6+s3+$0x0], $0xffff  }
0x19a: {  	[dreg:$0xa] =	wrdreg s16;
	[tilespmem:v1+s9+$0x0 ss:$0x1] =	vst.idx.msk $0xffff, v7;
	v13 =	vshll.u32 v13, $0x4;
	v16 =	vshll.u32 v16, $0x4;
	v9 =	vld.idx.msk [tilespmem:v9+s3+$0x0], $0xffff;
	v11 =	vadd.f32 $1.258291200e+07, v11  }
0x19b: {  	s16 =	rddreg [dreg:$0x8];
	v15 =	vadd.f32 $1.258291200e+07, v15;
	v13 =	vor.u32 v0, v13;
	v12 =	vor.u32 v0, v16;
	v16 =	vld.idx.msk [tilespmem:v2+s21+$0x0 ss:$0x1], $0xffff  }
0x19c: {  	s5 =	rddreg [dreg:$0x10];
	v7 =	vld.idx.msk [tilespmem:v2+s16+$0x0 ss:$0x1], $0xffff;
	v13 =	vand.u32 $0x7FFF, v13;
	v17 =	vmul.f32 $6.400000000e+01, v17;
	v11 =	vshll.u32 v11, $0x4  }
0x19d: {  	v10 =	vmul.f32 $6.400000000e+01, v10;
	v5 =	vand.u32 $0x7FFF, v5;
	v3 =	vld.idx.msk [tilespmem:v3+s3+$0x0], $0xffff;
	s16 =	sld [smem:$0x7EC];
	v11 =	vor.u32 v0, v11  }
0x19e: {  	v15 =	vshll.u32 v15, $0x4;
	v8 =	vadd.f32 $1.258291200e+07, v17;
	v17 =	vld.idx.msk [tilespmem:v2+s5+$0x0 ss:$0x1], $0xffff;
	s5 =	sld [smem:$0x7EA];
	v11 =	vand.u32 $0x7FFF, v11  }
0x19f: {  	s11 =	smov.u32 s8;
	s15 =	sor.u32 $0xC50, s14;
	v10 =	vadd.f32 $1.258291200e+07, v10;
	v14 =	vmul.f32 $6.400000000e+01, v14;
	[tilespmem:v1+s23+$0x0 ss:$0x1] =	vst.idx.msk $0xffff, v4;
	s23 =	rddreg [dreg:$0x4];
	v15 =	vor.u32 v0, v15  }
0x1a0: {  	[dreg:$0xd] =	wrdreg s15;
	s15 =	sor.u32 $0x1850, s14;
	s10 =	sor.u32 $0x860, s14;
	v4 =	vand.u32 $0x7FFF, v15;
	v15 =	vld.idx.msk [tilespmem:v2+s23+$0x0 ss:$0x1], $0xffff;
	v16 =	vmul.f32 $6.400000000e+01, v16  }
0x1a1: {  	s13 =	smov.u32 s15;
	s15 =	smov.u32 s10;
	s10 =	sld [smem:$0x7EB];
	v10 =	vshll.u32 v10, $0x4;
	v12 =	vand.u32 $0x7FFF, v12;
	v14 =	vadd.f32 $1.258291200e+07, v14;
	v13 =	vld.idx.msk [tilespmem:v13+s3+$0x0], $0xffff;
	[tilespmem:v1+s5+$0x0 ss:$0x1] =	vst.idx.msk $0xffff, v9  }
0x1a2: {  	[dreg:$0x13] =	wrdreg s11;
	s0 =	sor.u32 $0x40, s14;
	v10 =	vor.u32 v0, v10;
	[tilespmem:v1+s16+$0x0 ss:$0x1] =	vst.idx.msk $0xffff, v3;
	v3 =	vadd.f32 $1.258291200e+07, v16;
	v16 =	vld.idx.msk [tilespmem:v5+s3+$0x0], $0xffff  }
0x1a3: {  	s20 =	sor.u32 $0x440, s14;
	s28 =	sor.u32 $0x840, s14;
	s12 =	sor.u32 $0x460, s14;
	v10 =	vand.u32 $0x7FFF, v10;
	[tilespmem:v1+s25+$0x0 ss:$0x1] =	vst.idx.msk $0xffff, v6;
	v14 =	vshll.u32 v14, $0x4;
	v7 =	vmul.f32 $6.400000000e+01, v7;
	v6 =	vld.idx.msk [tilespmem:v11+s3+$0x0], $0xffff  }
0x1a4: {  	s17 =	sor.u32 $0x1040, s14;
	s21 =	smov.u32 s12;
	s12 =	rddreg [dreg:$0x5];
	v8 =	vshll.u32 v8, $0x4;
	v9 =	vmul.f32 $6.400000000e+01, v18;
	v11 =	vmul.f32 $6.400000000e+01, v17;
	v17 =	vld.idx.msk [tilespmem:v2+s10+$0x0 ss:$0x1], $0xffff  }
0x1a5: {  	s11 =	sor.u32 $0x50, s14;
	s26 =	sor.u32 $0x1440, s14;
	s1 =	sor.u32 $0x450, s14;
	v14 =	vor.u32 v0, v14;
	v7 =	vadd.f32 $1.258291200e+07, v7;
	v8 =	vor.u32 v0, v8;
	v18 =	vld.idx.msk [tilespmem:v2+s12+$0x0 ss:$0x1], $0xffff  }
0x1a6: {  	s8 =	sor.u32 $0xC60, s14;
	[dreg:$0x1b] =	wrdreg s0;
	s0 =	sor.u32 $0xC40, s14;
	v12 =	vld.idx.msk [tilespmem:v12+s3+$0x0], $0xffff;
	v8 =	vand.u32 $0x7FFF, v8;
	v9 =	vadd.f32 $1.258291200e+07, v9;
	v11 =	vadd.f32 $1.258291200e+07, v11  }
0x1a7: {  	[dreg:$0xf] =	wrdreg s1;
	s1 =	smov.u32 s11;
	s6 =	sor.u32 $0x1460, s14;
	v14 =	vand.u32 $0x7FFF, v14;
	v7 =	vshll.u32 v7, $0x4;
	v19 =	vld.idx.msk [tilespmem:v4+s3+$0x0], $0xffff;
	v15 =	vmul.f32 $6.400000000e+01, v15;
	[tilespmem:v1+s31+$0x0 ss:$0x1] =	vst.idx.msk $0xffff, v16  }
0x1a8: {  	[smem:$0x7F8] =	sst s6;
	s2 =	sor.u32 $0x1050, s14;
	s12 =	sor.u32 $0x1C50, s14;
	v4 =	vor.u32 v0, v7;
	v9 =	vshll.u32 v9, $0x4;
	v11 =	vshll.u32 v11, $0x4;
	v16 =	vld.idx.msk [tilespmem:v2+s0+$0x0 ss:$0x1], $0xffff;
	[tilespmem:v1+s4+$0x0 ss:$0x1] =	vst.idx.msk $0xffff, v6  }
0x1a9: {  	s6 =	sor.u32 $0x70, s14;
	s18 =	sor.u32 $0x1840, s14;
	[dreg:$0xc] =	wrdreg s2;
	v5 =	vor.u32 v0, v9;
	v9 =	vor.u32 v0, v11;
	v17 =	vmul.f32 $6.400000000e+01, v17;
	v7 =	vld.idx.msk [tilespmem:v2+s12+$0x0 ss:$0x1], $0xffff  }
0x1aa: {  	s2 =	sor.u32 $0x60, s14;
	[dreg:$0x9] =	wrdreg s13;
	s13 =	smov.u32 s8;
	v3 =	vshll.u32 v3, $0x4;
	[tilespmem:v1+s24+$0x0 ss:$0x1] =	vst.idx.msk $0xffff, v13;
	v13 =	vmul.f32 $6.400000000e+01, v18;
	v6 =	vand.u32 $0x7FFF, v9;
	v9 =	vld.idx.msk [tilespmem:v10+s3+$0x0], $0xffff  }
.Ltmp0:
0x1ab: {  	s11 =	smov.u32 s10;
	s23 =	rddreg [dreg:$0x12];
	v3 =	vor.u32 v0, v3;
	[tilespmem:v1+s29+$0x0 ss:$0x1] =	vst.idx.msk $0xffff, v12;
	v10 =	vld.idx.msk [tilespmem:v8+s3+$0x0], $0xffff;
	v8 =	vadd.f32 $1.258291200e+07, v15;
	v12 =	vadd.f32 $1.258291200e+07, v17;
	(pc) =	sbr.rel @p3 .LBB2_3-.Ltmp0, $4  }
0x1ac: {  	s25 =	rddreg [dreg:$0x1c];
	s8 =	smov.u32 s23;
	s23 =	smov.u32 s6;
	v4 =	vand.u32 $0x7FFF, v4;
	v3 =	vand.u32 $0x7FFF, v3;
	v11 =	vld.idx.msk [tilespmem:v14+s3+$0x0], $0xffff;
	v13 =	vadd.f32 $1.258291200e+07, v13  }
0x1ad: {  	s16 =	rddreg [dreg:$0x1d];
	s5 =	sadd.s32 $0x40, s25;
	s24 =	smov.u32 s2;
	v5 =	vand.u32 $0x7FFF, v5;
	v14 =	vld.idx.msk [tilespmem:v2+s20+$0x0 ss:$0x1], $0xffff;
	v8 =	vshll.u32 v8, $0x4;
	v17 =	vshll.u32 v12, $0x4  }
0x1ae: {  	s10 =	smov.u32 s20;
	s2 =	smov.u32 s17;
	[tilespmem:v1+s30+$0x0 ss:$0x1] =	vst.idx.msk $0xffff, v19;
	s30 =	rddreg [dreg:$0x19];
	v15 =	vld.idx.msk [tilespmem:v2+s28+$0x0 ss:$0x1], $0xffff;
	v8 =	vor.u32 v0, v8;
	v12 =	vmul.f32 $6.400000000e+01, v7;
	v7 =	vshll.u32 v13, $0x4  }
0x1af: {  	s17 =	smov.u32 s0;
	s31 =	smov.u32 s28;
	s0 =	sadd.s32 $0x2000, s30;
	v13 =	vld.idx.msk [tilespmem:v2+s2+$0x0 ss:$0x1], $0xffff;
	[tilespmem:v1+s7+$0x0 ss:$0x1] =	vst.idx.msk $0xffff, v9;
	v9 =	vor.u32 v0, v17;
	v7 =	vor.u32 v0, v7  }
0x1b0: {  	_ =	sdelay $0x2  }
0x1b1: {  	v14 =	vmul.f32 $6.400000000e+01, v14  }
0x1b2: {  	v16 =	vmul.f32 $6.400000000e+01, v16;
	v51 =	vld.idx.msk [tilespmem:v2+s26+$0x0 ss:$0x1], $0xffff  }
0x1b3: {  	[tilespmem:v1+s22+$0x0 ss:$0x1] =	vst.idx.msk $0xffff, v11;
	v15 =	vmul.f32 $6.400000000e+01, v15;
	v14 =	vadd.f32 $1.258291200e+07, v14  }
0x1b4: {  	v16 =	vadd.f32 $1.258291200e+07, v16;
	v52 =	vld.idx.msk [tilespmem:v2+s18+$0x0 ss:$0x1], $0xffff  }
0x1b5: {  	[tilespmem:v1+s19+$0x0 ss:$0x1] =	vst.idx.msk $0xffff, v10;
	v15 =	vadd.f32 $1.258291200e+07, v15;
	v14 =	vshll.u32 v14, $0x4  }
0x1b6: {  	s5 =	rddreg [dreg:$0x1b];
	v16 =	vshll.u32 v16, $0x4;
	v13 =	vmul.f32 $6.400000000e+01, v13;
	v14 =	vor.u32 v0, v14  }
0x1b7: {  	v17 =	vld.idx.msk [tilespmem:v2+s5+$0x0 ss:$0x1], $0xffff;
	v11 =	vmul.f32 $6.400000000e+01, v51;
	v15 =	vshll.u32 v15, $0x4;
	v14 =	vand.u32 $0x7FFF, v14  }
0x1b8: {  	v16 =	vor.u32 v0, v16;
	v13 =	vadd.f32 $1.258291200e+07, v13;
	v15 =	vor.u32 v0, v15  }
0x1b9: {  	v10 =	vmul.f32 $6.400000000e+01, v52;
	v11 =	vadd.f32 $1.258291200e+07, v11;
	v15 =	vand.u32 $0x7FFF, v15  }
0x1ba: {  	v16 =	vand.u32 $0x7FFF, v16;
	v13 =	vshll.u32 v13, $0x4  }
0x1bb: {  	v10 =	vadd.f32 $1.258291200e+07, v10;
	v11 =	vshll.u32 v11, $0x4;
	v13 =	vor.u32 v0, v13  }
0x1bc: {  	v17 =	vmul.f32 $6.400000000e+01, v17;
	v11 =	vor.u32 v0, v11;
	v13 =	vand.u32 $0x7FFF, v13;
	v14 =	vld.idx.msk [tilespmem:v14+s3+$0x0], $0xffff  }
0x1bd: {  	v10 =	vshll.u32 v10, $0x4;
	v11 =	vand.u32 $0x7FFF, v11  }
0x1be: {  	v17 =	vadd.f32 $1.258291200e+07, v17;
	v10 =	vor.u32 v0, v10;
	v15 =	vld.idx.msk [tilespmem:v15+s3+$0x0], $0xffff  }
0x1bf: {  	v16 =	vld.idx.msk [tilespmem:v16+s3+$0x0], $0xffff;
	v10 =	vand.u32 $0x7FFF, v10  }
0x1c0: {  	v53 =	vshll.u32 v17, $0x4  }
0x1c1: {  	v13 =	vld.idx.msk [tilespmem:v13+s3+$0x0], $0xffff;
	[tilespmem:v1+s10+$0x0 ss:$0x1] =	vst.idx.msk $0xffff, v14;
	v14 =	vor.u32 v0, v53  }
0x1c2: {  	v11 =	vld.idx.msk [tilespmem:v11+s3+$0x0], $0xffff;
	v14 =	vand.u32 $0x7FFF, v14  }
0x1c3: {  	[tilespmem:v1+s31+$0x0 ss:$0x1] =	vst.idx.msk $0xffff, v15  }
0x1c4: {  	v10 =	vld.idx.msk [tilespmem:v10+s3+$0x0], $0xffff;
	s7 =	rddreg [dreg:$0xf];
	[tilespmem:v1+s17+$0x0 ss:$0x1] =	vst.idx.msk $0xffff, v16  }
0x1c5: {  	v54 =	vld.idx.msk [tilespmem:v2+s7+$0x0 ss:$0x1], $0xffff;
	s16 =	rddreg [dreg:$0xe]  }
0x1c6: {  	s10 =	rddreg [dreg:$0xd];
	[tilespmem:v1+s2+$0x0 ss:$0x1] =	vst.idx.msk $0xffff, v13;
	v55 =	vld.idx.msk [tilespmem:v2+s16+$0x0 ss:$0x1], $0xffff  }
0x1c7: {  	[tilespmem:v1+s26+$0x0 ss:$0x1] =	vst.idx.msk $0xffff, v11;
	v14 =	vld.idx.msk [tilespmem:v14+s3+$0x0], $0xffff  }
0x1c8: {  	v12 =	vadd.f32 $1.258291200e+07, v12;
	v56 =	vld.idx.msk [tilespmem:v2+s10+$0x0 ss:$0x1], $0xffff;
	s6 =	rddreg [dreg:$0xc]  }
0x1c9: {  	v59 =	vld.idx.msk [tilespmem:v2+s6+$0x0 ss:$0x1], $0xffff  }
0x1ca: {  	v12 =	vshll.u32 v12, $0x4;
	[tilespmem:v1+s18+$0x0 ss:$0x1] =	vst.idx.msk $0xffff, v10  }
0x1cb: {  	v58 =	vor.u32 v0, v12;
	s4 =	rddreg [dreg:$0xa]  }
0x1cc: {  	v61 =	vand.u32 $0x7FFF, v58;
	v63 =	vld.idx.msk [tilespmem:v2+s4+$0x0 ss:$0x1], $0xffff;
	v15 =	vmul.f32 $6.400000000e+01, v54;
	[tilespmem:v1+s5+$0x0 ss:$0x1] =	vst.idx.msk $0xffff, v14  }
0x1cd: {  	v16 =	vmul.f32 $6.400000000e+01, v55;
	s2 =	rddreg [dreg:$0x9]  }
0x1ce: {  	v17 =	vmul.f32 $6.400000000e+01, v56;
	v15 =	vadd.f32 $1.258291200e+07, v15;
	v12 =	vmul.f32 $6.400000000e+01, v59;
	v21 =	vld.idx.msk [tilespmem:v2+s2+$0x0 ss:$0x1], $0xffff  }
0x1cf: {  	v57 =	vadd.f32 $1.258291200e+07, v16  }
0x1d0: {  	v60 =	vadd.f32 $1.258291200e+07, v17;
	v15 =	vshll.u32 v15, $0x4;
	v12 =	vadd.f32 $1.258291200e+07, v12  }
0x1d1: {  	v10 =	vld.idx.msk [tilespmem:v61+s3+$0x0], $0xffff;
	v62 =	vor.u32 v0, v15;
	v13 =	vshll.u32 v57, $0x4;
	v15 =	vmul.f32 $6.400000000e+01, v63  }
0x1d2: {  	v22 =	vld.idx.msk [tilespmem:v2+s1+$0x0 ss:$0x1], $0xffff;
	v20 =	vshll.u32 v60, $0x4;
	v11 =	vand.u32 $0x7FFF, v62;
	v13 =	vor.u32 v0, v13  }
0x1d3: {  	v14 =	vor.u32 v0, v20;
	v15 =	vadd.f32 $1.258291200e+07, v15;
	v16 =	vmul.f32 $6.400000000e+01, v21  }
0x1d4: {  	v12 =	vshll.u32 v12, $0x4;
	v13 =	vand.u32 $0x7FFF, v13;
	v14 =	vand.u32 $0x7FFF, v14  }
0x1d5: {  	v12 =	vor.u32 v0, v12;
	v15 =	vshll.u32 v15, $0x4;
	v16 =	vadd.f32 $1.258291200e+07, v16  }
0x1d6: {  	v23 =	vand.u32 $0x7FFF, v12;
	v15 =	vor.u32 v0, v15  }
0x1d7: {  	s0 =	sor.u32 $0x1C60, s14;
	[tilespmem:v1+s12+$0x0 ss:$0x1] =	vst.idx.msk $0xffff, v10;
	v17 =	vmul.f32 $6.400000000e+01, v22;
	v11 =	vld.idx.msk [tilespmem:v11+s3+$0x0], $0xffff;
	v15 =	vand.u32 $0x7FFF, v15;
	v24 =	vshll.u32 v16, $0x4  }
0x1d8: {  	v25 =	vld.idx.msk [tilespmem:v2+s0+$0x0 ss:$0x1], $0xffff;
	v12 =	vor.u32 v0, v24  }
0x1d9: {  	v17 =	vadd.f32 $1.258291200e+07, v17;
	v13 =	vld.idx.msk [tilespmem:v13+s3+$0x0], $0xffff;
	v12 =	vand.u32 $0x7FFF, v12  }
0x1da: {  	v14 =	vld.idx.msk [tilespmem:v14+s3+$0x0], $0xffff  }
0x1db: {  	v26 =	vshll.u32 v17, $0x4;
	v10 =	vld.idx.msk [tilespmem:v23+s3+$0x0], $0xffff  }
0x1dc: {  	v16 =	vor.u32 v0, v26;
	[tilespmem:v1+s7+$0x0 ss:$0x1] =	vst.idx.msk $0xffff, v11;
	v15 =	vld.idx.msk [tilespmem:v15+s3+$0x0], $0xffff  }
0x1dd: {  	v16 =	vand.u32 $0x7FFF, v16;
	v27 =	vld.idx.msk [tilespmem:v2+s21+$0x0 ss:$0x1], $0xffff  }
0x1de: {  	[tilespmem:v1+s16+$0x0 ss:$0x1] =	vst.idx.msk $0xffff, v13;
	v12 =	vld.idx.msk [tilespmem:v12+s3+$0x0], $0xffff  }
0x1df: {  	v28 =	vld.idx.msk [tilespmem:v2+s15+$0x0 ss:$0x1], $0xffff  }
0x1e0: {  	[tilespmem:v1+s10+$0x0 ss:$0x1] =	vst.idx.msk $0xffff, v14  }
0x1e1: {  	v11 =	vmul.f32 $6.400000000e+01, v25;
	v29 =	vld.idx.msk [tilespmem:v2+s13+$0x0 ss:$0x1], $0xffff;
	[tilespmem:v1+s6+$0x0 ss:$0x1] =	vst.idx.msk $0xffff, v10  }
0x1e2: {  	v16 =	vld.idx.msk [tilespmem:v16+s3+$0x0], $0xffff;
	[tilespmem:v1+s4+$0x0 ss:$0x1] =	vst.idx.msk $0xffff, v15  }
0x1e3: {  	v11 =	vadd.f32 $1.258291200e+07, v11;
	v13 =	vmul.f32 $6.400000000e+01, v27;
	s10 =	rddreg [dreg:$0x1f];
	[tilespmem:v1+s2+$0x0 ss:$0x1] =	vst.idx.msk $0xffff, v12  }
0x1e4: {  	v5 =	vld.idx.msk [tilespmem:v5+s3+$0x0], $0xffff;
	v14 =	vmul.f32 $6.400000000e+01, v28;
	s12 =	sld [smem:$0x7F8]  }
0x1e5: {  	v30 =	vshll.u32 v11, $0x4;
	v33 =	vld.idx.msk [tilespmem:v2+s10+$0x0 ss:$0x1], $0xffff;
	v13 =	vadd.f32 $1.258291200e+07, v13  }
0x1e6: {  	v6 =	vld.idx.msk [tilespmem:v6+s3+$0x0], $0xffff;
	v10 =	vor.u32 v0, v30;
	v17 =	vmul.f32 $6.400000000e+01, v29;
	v31 =	vadd.f32 $1.258291200e+07, v14  }
0x1e7: {  	v10 =	vand.u32 $0x7FFF, v10;
	v13 =	vshll.u32 v13, $0x4;
	[tilespmem:v1+s1+$0x0 ss:$0x1] =	vst.idx.msk $0xffff, v16;
	v35 =	vld.idx.msk [tilespmem:v2+s12+$0x0 ss:$0x1], $0xffff  }
0x1e8: {  	v4 =	vld.idx.msk [tilespmem:v4+s3+$0x0], $0xffff;
	v32 =	vadd.f32 $1.258291200e+07, v17;
	v34 =	vor.u32 v0, v13;
	v11 =	vshll.u32 v31, $0x4;
	s1 =	rddreg [dreg:$0x6]  }
0x1e9: {  	v3 =	vld.idx.msk [tilespmem:v3+s3+$0x0], $0xffff;
	v11 =	vor.u32 v0, v11;
	v12 =	vand.u32 $0x7FFF, v34;
	s9 =	rddreg [dreg:$0x1e];
	[tilespmem:v1+s1+$0x0 ss:$0x1] =	vst.idx.msk $0xffff, v5  }
0x1ea: {  	v14 =	vshll.u32 v32, $0x4;
	v15 =	vmul.f32 $6.400000000e+01, v33;
	v36 =	vld.idx.msk [tilespmem:v2+s9+$0x0 ss:$0x1], $0xffff;
	v11 =	vand.u32 $0x7FFF, v11;
	s1 =	rddreg [dreg:$0x10]  }
0x1eb: {  	v37 =	vor.u32 v0, v14;
	v38 =	vld.idx.msk [tilespmem:v2+s24+$0x0 ss:$0x1], $0xffff;
	[tilespmem:v1+s1+$0x0 ss:$0x1] =	vst.idx.msk $0xffff, v6  }
0x1ec: {  	v10 =	vld.idx.msk [tilespmem:v10+s3+$0x0], $0xffff;
	v5 =	vand.u32 $0x7FFF, v37;
	v15 =	vadd.f32 $1.258291200e+07, v15;
	s2 =	rddreg [dreg:$0xb];
	v13 =	vmul.f32 $6.400000000e+01, v35  }
0x1ed: {  	v39 =	vld.idx.msk [tilespmem:v2+s2+$0x0 ss:$0x1], $0xffff  }
0x1ee: {  	s1 =	rddreg [dreg:$0x8];
	v15 =	vshll.u32 v15, $0x4;
	v12 =	vld.idx.msk [tilespmem:v12+s3+$0x0], $0xffff;
	v13 =	vadd.f32 $1.258291200e+07, v13  }
0x1ef: {  	s7 =	rddreg [dreg:$0x14];
	[tilespmem:v1+s1+$0x0 ss:$0x1] =	vst.idx.msk $0xffff, v4;
	v15 =	vor.u32 v0, v15;
	v16 =	vmul.f32 $6.400000000e+01, v36;
	v11 =	vld.idx.msk [tilespmem:v11+s3+$0x0], $0xffff  }
0x1f0: {  	v40 =	vld.idx.msk [tilespmem:v2+s7+$0x0 ss:$0x1], $0xffff;
	v14 =	vmul.f32 $6.400000000e+01, v38;
	s1 =	rddreg [dreg:$0x7];
	v15 =	vand.u32 $0x7FFF, v15;
	v13 =	vshll.u32 v13, $0x4  }
0x1f1: {  	v41 =	vld.idx.msk [tilespmem:v5+s3+$0x0], $0xffff;
	[tilespmem:v1+s1+$0x0 ss:$0x1] =	vst.idx.msk $0xffff, v3;
	v42 =	vadd.f32 $1.258291200e+07, v16;
	v13 =	vor.u32 v0, v13  }
0x1f2: {  	v14 =	vadd.f32 $1.258291200e+07, v14;
	s5 =	rddreg [dreg:$0x13];
	[tilespmem:v1+s0+$0x0 ss:$0x1] =	vst.idx.msk $0xffff, v10;
	v43 =	vld.idx.msk [tilespmem:v2+s8+$0x0 ss:$0x1], $0xffff;
	v13 =	vand.u32 $0x7FFF, v13  }
0x1f3: {  	s28 =	sor.u32 $0x1C70, s14;
	v3 =	vld.idx.msk [tilespmem:v2+s5+$0x0 ss:$0x1], $0xffff;
	v5 =	vshll.u32 v42, $0x4;
	[tilespmem:v1+s21+$0x0 ss:$0x1] =	vst.idx.msk $0xffff, v12  }
0x1f4: {  	v44 =	vld.idx.msk [tilespmem:v2+s28+$0x0 ss:$0x1], $0xffff;
	v14 =	vshll.u32 v14, $0x4;
	v5 =	vor.u32 v0, v5;
	[tilespmem:v1+s15+$0x0 ss:$0x1] =	vst.idx.msk $0xffff, v11  }
0x1f5: {  	v14 =	vor.u32 v0, v14;
	v15 =	vld.idx.msk [tilespmem:v15+s3+$0x0], $0xffff;
	s6 =	rddreg [dreg:$0x16];
	v5 =	vand.u32 $0x7FFF, v5  }
0x1f6: {  	v14 =	vand.u32 $0x7FFF, v14;
	[tilespmem:v1+s13+$0x0 ss:$0x1] =	vst.idx.msk $0xffff, v41;
	v45 =	vld.idx.msk [tilespmem:v2+s6+$0x0 ss:$0x1], $0xffff  }
0x1f7: {  	v46 =	vmul.f32 $6.400000000e+01, v39;
	v48 =	vmul.f32 $6.400000000e+01, v40;
	s20 =	rddreg [dreg:$0x1a];
	v13 =	vld.idx.msk [tilespmem:v13+s3+$0x0], $0xffff  }
0x1f8: {  	v8 =	vand.u32 $0x7FFF, v8;
	s4 =	rddreg [dreg:$0x11];
	v47 =	vld.idx.msk [tilespmem:v2+s20+$0x0 ss:$0x1], $0xffff  }
0x1f9: {  	v9 =	vand.u32 $0x7FFF, v9;
	v4 =	vadd.f32 $1.258291200e+07, v46;
	v16 =	vadd.f32 $1.258291200e+07, v48;
	v49 =	vld.idx.msk [tilespmem:v2+s4+$0x0 ss:$0x1], $0xffff  }
0x1fa: {  	v7 =	vand.u32 $0x7FFF, v7;
	v10 =	vmul.f32 $6.400000000e+01, v43;
	v3 =	vmul.f32 $6.400000000e+01, v3;
	v5 =	vld.idx.msk [tilespmem:v5+s3+$0x0], $0xffff  }
0x1fb: {  	v4 =	vshll.u32 v4, $0x4;
	v16 =	vshll.u32 v16, $0x4;
	v12 =	vmul.f32 $6.400000000e+01, v44;
	v14 =	vld.idx.msk [tilespmem:v14+s3+$0x0], $0xffff;
	[tilespmem:v1+s10+$0x0 ss:$0x1] =	vst.idx.msk $0xffff, v15  }
0x1fc: {  	v10 =	vadd.f32 $1.258291200e+07, v10;
	v4 =	vor.u32 v0, v4;
	v3 =	vadd.f32 $1.258291200e+07, v3;
	[tilespmem:v1+s12+$0x0 ss:$0x1] =	vst.idx.msk $0xffff, v13  }
0x1fd: {  	v50 =	vor.u32 v0, v16;
	v4 =	vand.u32 $0x7FFF, v4;
	v12 =	vadd.f32 $1.258291200e+07, v12;
	s29 =	rddreg [dreg:$0x15]  }
0x1fe: {  	v52 =	vand.u32 $0x7FFF, v50;
	v10 =	vshll.u32 v10, $0x4;
	v3 =	vshll.u32 v3, $0x4;
	v51 =	vld.idx.msk [tilespmem:v2+s29+$0x0 ss:$0x1], $0xffff  }
0x1ff: {  	v10 =	vor.u32 v0, v10;
	v11 =	vmul.f32 $6.400000000e+01, v45;
	v12 =	vshll.u32 v12, $0x4;
	[tilespmem:v1+s9+$0x0 ss:$0x1] =	vst.idx.msk $0xffff, v5  }
0x200: {  	v9 =	vld.idx.msk [tilespmem:v9+s3+$0x0], $0xffff;
	v3 =	vor.u32 v0, v3;
	v6 =	vmul.f32 $6.400000000e+01, v47;
	v53 =	vmul.f32 $6.400000000e+01, v49;
	s25 =	rddreg [dreg:$0x18];
	[tilespmem:v1+s24+$0x0 ss:$0x1] =	vst.idx.msk $0xffff, v14  }
0x201: {  	v12 =	vor.u32 v0, v12;
	v10 =	vand.u32 $0x7FFF, v10;
	v11 =	vadd.f32 $1.258291200e+07, v11;
	v54 =	vld.idx.msk [tilespmem:v2+s25+$0x0 ss:$0x1], $0xffff;
	s9 =	rddreg [dreg:$0x17]  }
0x202: {  	v12 =	vand.u32 $0x7FFF, v12;
	v6 =	vadd.f32 $1.258291200e+07, v6;
	v15 =	vadd.f32 $1.258291200e+07, v53;
	v55 =	vld.idx.msk [tilespmem:v2+s9+$0x0 ss:$0x1], $0xffff  }
0x203: {  	v3 =	vand.u32 $0x7FFF, v3;
	v11 =	vshll.u32 v11, $0x4;
	v2 =	vld.idx.msk [tilespmem:v2+s23+$0x0 ss:$0x1], $0xffff;
	v13 =	vmul.f32 $6.400000000e+01, v51  }
0x204: {  	v8 =	vld.idx.msk [tilespmem:v8+s3+$0x0], $0xffff;
	v6 =	vshll.u32 v6, $0x4;
	v11 =	vor.u32 v0, v11;
	v15 =	vshll.u32 v15, $0x4  }
0x205: {  	v4 =	vld.idx.msk [tilespmem:v4+s3+$0x0], $0xffff;
	v6 =	vor.u32 v0, v6;
	v15 =	vor.u32 v0, v15;
	v13 =	vadd.f32 $1.258291200e+07, v13  }
0x206: {  	v7 =	vld.idx.msk [tilespmem:v7+s3+$0x0], $0xffff;
	v11 =	vand.u32 $0x7FFF, v11;
	v6 =	vand.u32 $0x7FFF, v6;
	v16 =	vmul.f32 $6.400000000e+01, v54  }
0x207: {  	v5 =	vld.idx.msk [tilespmem:v52+s3+$0x0], $0xffff;
	v15 =	vand.u32 $0x7FFF, v15;
	v14 =	vmul.f32 $6.400000000e+01, v55;
	v13 =	vshll.u32 v13, $0x4  }
0x208: {  	v58 =	vld.idx.msk [tilespmem:v10+s3+$0x0], $0xffff;
	s1 =	rddreg [dreg:$0x4];
	[tilespmem:v1+s11+$0x0 ss:$0x1] =	vst.idx.msk $0xffff, v9;
	v2 =	vmul.f32 $6.400000000e+01, v2;
	v16 =	vadd.f32 $1.258291200e+07, v16;
	v13 =	vor.u32 v0, v13  }
0x209: {  	v3 =	vld.idx.msk [tilespmem:v3+s3+$0x0], $0xffff;
	[tilespmem:v1+s1+$0x0 ss:$0x1] =	vst.idx.msk $0xffff, v8;
	v14 =	vadd.f32 $1.258291200e+07, v14;
	v13 =	vand.u32 $0x7FFF, v13  }
0x20a: {  	v12 =	vld.idx.msk [tilespmem:v12+s3+$0x0], $0xffff;
	s1 =	rddreg [dreg:$0x5];
	[tilespmem:v1+s2+$0x0 ss:$0x1] =	vst.idx.msk $0xffff, v4;
	v2 =	vadd.f32 $1.258291200e+07, v2;
	v56 =	vshll.u32 v16, $0x4  }
0x20b: {  	[tilespmem:v1+s1+$0x0 ss:$0x1] =	vst.idx.msk $0xffff, v7;
	v59 =	vld.idx.msk [tilespmem:v11+s3+$0x0], $0xffff;
	v57 =	vshll.u32 v14, $0x4;
	v8 =	vor.u32 v0, v56  }
0x20c: {  	[tilespmem:v1+s7+$0x0 ss:$0x1] =	vst.idx.msk $0xffff, v5;
	v60 =	vld.idx.msk [tilespmem:v6+s3+$0x0], $0xffff;
	v2 =	vshll.u32 v2, $0x4;
	v9 =	vor.u32 v0, v57;
	v8 =	vand.u32 $0x7FFF, v8  }
0x20d: {  	[tilespmem:v1+s8+$0x0 ss:$0x1] =	vst.idx.msk $0xffff, v58;
	v61 =	vld.idx.msk [tilespmem:v15+s3+$0x0], $0xffff;
	v2 =	vor.u32 v0, v2;
	v9 =	vand.u32 $0x7FFF, v9  }
0x20e: {  	[tilespmem:v1+s5+$0x0 ss:$0x1] =	vst.idx.msk $0xffff, v3;
	v2 =	vand.u32 $0x7FFF, v2;
	v3 =	vld.idx.msk [tilespmem:v13+s3+$0x0], $0xffff  }
0x20f: {  	[tilespmem:v1+s28+$0x0 ss:$0x1] =	vst.idx.msk $0xffff, v12  }
0x210: {  	[tilespmem:v1+s6+$0x0 ss:$0x1] =	vst.idx.msk $0xffff, v59  }
0x211: {  	[tilespmem:v1+s20+$0x0 ss:$0x1] =	vst.idx.msk $0xffff, v60;
	v62 =	vld.idx.msk [tilespmem:v8+s3+$0x0], $0xffff  }
0x212: {  	s5 =	sld [smem:$0x7EF];
	[tilespmem:v1+s4+$0x0 ss:$0x1] =	vst.idx.msk $0xffff, v61;
	v63 =	vld.idx.msk [tilespmem:v9+s3+$0x0], $0xffff  }
0x213: {  	v2 =	vld.idx.msk [tilespmem:v2+s3+$0x0], $0xffff;
	[tilespmem:v1+s29+$0x0 ss:$0x1] =	vst.idx.msk $0xffff, v3  }
0x214: {  	s0 =	sld [smem:$0x7EE]  }
0x215: {  	s1 =	sld [smem:$0x7F7]  }
0x216: {  	p2 =	seq.s32 s5, $0x3F;
	[tilespmem:v1+s25+$0x0 ss:$0x1] =	vst.idx.msk $0xffff, v62  }
0x217: {  	p1 =	por p2, p1;
	[tilespmem:v1+s9+$0x0 ss:$0x1] =	vst.idx.msk $0xffff, v63  }
0x218: {  	[tilespmem:v1+s23+$0x0 ss:$0x1] =	vst.idx.msk $0xffff, v2;
	s0 =	sshll.u32 @p1 s0, $0x18;
	s1 =	sshll.u32 @p1 s1, $0xE  }
0x219: {  	s0 =	sadd.s32 @p1 s0, s1;
	s1 =	sld [smem:$0x7F5]  }
0x21a: {  	s4 =	sld [smem:$0x7F6]  }
0x21b: {  	s2 =	rddreg [dreg:$0x2];
	s0 =	sshrl.u32 @p1 s0, $0x3  }
0x21c: {  	s0 =	sadd.s32 @p1 s2, s0;
	s2 =	simm.s32 @p1 $0x0;
	s1 =	sadd.s32 @p1 $0x3, s1  }
0x21d: {  	[hbm4b:s0+s2] =	stream.linear.scatter @p1 [tilespmem:s4], [sflag:s1], $0x4000, $0x38;
	[tilespmem:$0x18000] =	vst v63  }
0x21e: {  	s2 =	sld [smem:$0x7ED];
	_ =	sdelay $0x1  }
0x21f: {  	p2 =	seq.s32 s5, $0x0  }
0x220: {  	s1 =	sand.u32 @!p2 $0x1, s2  }
0x221: {  	s0 =	simm.s32 $0x1;
	s1 =	sadd.s32 @!p2 $0x3, s1  }
0x222: {  	s29 =	sld [smem:$0x7F2];
	s0 =	simm.s32 @!p0 $0x0;
	_ =	swait.ge @!p2 [sflag:s1], $0x4000  }
0x223: {  	p0 =	sne.s32 s5, $0x0;
	s5 =	sadd.s32 $0x1, s5;
	[sflag:s1] =	ssyncset.done @!p2 $0x0  }
0x224: {  	s30 =	sld [smem:$0x7F4];
	[sflag:s1] =	ssyncadd.s32 @!p2 $0xFFFFC000;
	s1 =	simm.s32 $0x1  }
0x225: {  	s31 =	sld [smem:$0x7F3];
	s1 =	simm.s32 @!p0 $0x0;
	p0 =	sne.s32 s5, $0x40  }
.Ltmp1:
0x226: {  	s4 =	sadd.s32 s0, s29;
	s0 =	simm.s32 $0x1;
	(pc) =	sbr.rel @p0 .LBB2_2-.Ltmp1, $4  }
0x227: {  	s0 =	simm.s32 @!p1 $0x0  }
0x228: {  	s6 =	sadd.s32 s0, s30;
	s7 =	sadd.s32 s0, s31;
	s0 =	sld [smem:$0x7F0]  }
0x229: {  	_ = 	snop  }
0x22a: {  	s9 =	sld [smem:$0x7F1];
	s2 =	sadd.s32 s1, s2  }
0x22b: {  	s1 =	simm.s32 $0x4  }
0x22c: {  	_ =	swait.ge [sflag:s1], $0x4000  }
0x22d: {  	s2 =	sld [smem:$0x7F9]  }
0x22e: {  	s0 =	sld [smem:$0x7FD];
	_ =	sdelay $0x1  }
0x22f: {  	s2 =	sadd.s32 $0x1, s2  }
0x230: {  	p0 =	sne.s32 s2, s0  }
.Ltmp2:
0x231: {  	_ = 	snop;
	(pc) =	sbr.rel @p0 .LBB2_1-.Ltmp2, $3  }
0x232: {  	_ =	sdelay $0x1  }
0x233: {  	[sflag:s1] =	ssyncset.done $0x0  }
0x234: {  	[sflag:s1] =	ssyncadd.s32 $0xFFFFC000  }
0x235: {  	_ =	sfence.sel $0x180000  }
0x236: {  	[bflag:$0x0] =	sbarrier.arrive $0xFFFF  }
0x237: {  	_ =	strace $0x90000047  }
0x238: {  	s0 =	stileid.u32;
	[bflag:$0x2] =	sbarrier.arrive $0xFFFF  }
0x239: {  	p0 =	sne.s32 s0, $0x0;
	s0 =	rddreg [dreg:$0x3]  }
0x23a: {  	s0 =	sadd.s32 @!p0 $0x100000, s0  }
0x23b: {  	[sflag:s0] =	ssyncadd.tile.s32 @!p0 $0x1;
	_ =	shalt  }
.Lfunc_end2:
_tile_overlayer_lowered:
.L_overlay_start_2:
0x23c: {  	(tag) =	ssettag $0x2  }
0x23d: {  	s0 =	rddreg [dreg:$0x0];
	s2 =	stileid.u32  }
0x23e: {  	s1 =	rddreg [dreg:$0x1];
	p0 =	sne.s32 s2, $0x0  }
0x23f: {  	s3 =	rddreg [dreg:$0x2];
	[bflag:$0x3] =	sbarrier.arrive $0xFFFF;
	s2 =	simm.s32 @!p0 $0x1C01  }
0x240: {  	[timem:s3], [sflag:s2] =	dma.local @!p0 [hbm:s0], s1  }
0x241: {  	s0 =	simm.s32 @!p0 $0x1  }
0x242: {  	_ =	swait.ge @!p0 [sflag:s0], s1  }
0x243: {  	s1 =	ssub.s32 @!p0 $0x0, s1;
	[sflag:s0] =	ssyncset.done @!p0 $0x0  }
0x244: {  	[sflag:s0] =	ssyncadd.s32 @!p0 s1  }
0x245: {  	[bflag:$0x3] =	sbarrier.arrive $0xFFFF  }
0x246: {  	_ =	shalt  }

</sc_bundles>
